<compile_context>
chip_gen: v7x
topology: tpu7x:2x2x1
jax: 0.10.2.dev20260603
libtpu: 0.0.44.dev20260713+nightly
codegen_flags: <defaults>
</compile_context>

<pallas_src>
import functools
import math

import jax
import jax.numpy as jnp
from jax import lax
from jax.experimental import pallas as pl
from jax.experimental.pallas import tpu as pltpu
from jax.experimental.pallas import tpu_sc as plsc

N = 10000
E = 320000
F = 128
H = 4
DK = 32
L = 16
NC = 2
NS = 16
NW = NC * NS
EPT = E // NW
C1 = 400
SS = 5
NCH1 = EPT // C1
NCHT = E // C1
CB2 = 5
NCH2 = NCH1 // CB2
INV_SQRT_DK = 1.0 / math.sqrt(DK)

BR = 400


def _proj_body(x_ref, wqt, wkt, wvt, bq, bk, bv, q_ref, k_ref, v_ref):
    xb = x_ref[...]
    q_ref[...] = jnp.dot(xb, wqt[...], preferred_element_type=jnp.float32) + bq[...]
    k_ref[...] = jnp.dot(xb, wkt[...], preferred_element_type=jnp.float32) + bk[...]
    v_ref[...] = jnp.dot(xb, wvt[...], preferred_element_type=jnp.float32) + bv[...]


_project = pl.pallas_call(
    _proj_body,
    grid=(N // BR,),
    in_specs=[
        pl.BlockSpec((BR, F), lambda i: (i, 0)),
        pl.BlockSpec((F, F), lambda i: (0, 0)),
        pl.BlockSpec((F, F), lambda i: (0, 0)),
        pl.BlockSpec((F, F), lambda i: (0, 0)),
        pl.BlockSpec((1, F), lambda i: (0, 0)),
        pl.BlockSpec((1, F), lambda i: (0, 0)),
        pl.BlockSpec((1, F), lambda i: (0, 0)),
    ],
    out_specs=[pl.BlockSpec((BR, F), lambda i: (i, 0))] * 3,
    out_shape=[jax.ShapeDtypeStruct((N, F), jnp.float32)] * 3,
)

_sc_params = pltpu.CompilerParams(
    needs_layout_passes=False, use_tc_tiling_on_sc=False
)


@functools.partial(
    pl.kernel,
    out_type=[
        jax.ShapeDtypeStruct((NCHT, H, C1), jnp.float32),
        jax.ShapeDtypeStruct((NCHT, H, C1), jnp.float32),
        jax.ShapeDtypeStruct((H, N), jnp.float32),
        jax.ShapeDtypeStruct((H, N), jnp.float32),
    ],
    mesh=plsc.VectorSubcoreMesh(core_axis_name="c", subcore_axis_name="s"),
    scratch_types=[
        pltpu.VMEM((C1,), jnp.int32),
        pltpu.VMEM((C1,), jnp.int32),
        pltpu.VMEM((C1, F), jnp.float32),
        pltpu.VMEM((C1, F), jnp.float32),
        pltpu.VMEM((H, C1), jnp.float32),
        pltpu.VMEM((H, C1), jnp.float32),
        [pltpu.VMEM_SHARED((N,), jnp.float32)] * H,
        pltpu.VMEM((N,), jnp.float32),
        pltpu.SemaphoreType.DMA,
        pltpu.SemaphoreType.DMA,
    ],
    compiler_params=_sc_params,
)
def _pass1(qtab, ktab, e0, e1,
           prods_hbm, expv_hbm, den0_hbm, den1_hbm,
           idx0, idx1, qrows, krows, pch, ech, den_sh, stage, sem_q, sem_k):
    cid = lax.axis_index("c")
    sid = lax.axis_index("s")
    wid = cid * NS + sid
    base = wid * EPT

    @pl.when(sid == 0)
    def _():
        zv = jnp.zeros((L,), jnp.float32)

        def zbody(i, carry):
            stage[pl.ds(i * L, L)] = zv
            return carry

        lax.fori_loop(0, N // L, zbody, 0)
        for h in range(H):
            pltpu.sync_copy(stage, den_sh[h])

    plsc.subcore_barrier()

    lane = lax.iota(jnp.int32, L)

    def chunk_body(c, carry):
        off = base + c * C1
        g = wid * NCH1 + c
        pltpu.sync_copy(e0.at[pl.ds(off, C1)], idx0)
        pltpu.sync_copy(e1.at[pl.ds(off, C1)], idx1)
        copies = []
        for s in range(SS):
            sl = pl.ds(s * (C1 // SS), C1 // SS)
            copies.append(
                pltpu.async_copy(qtab.at[idx0.at[sl]], qrows.at[sl], sem_q))
            copies.append(
                pltpu.async_copy(ktab.at[idx1.at[sl]], krows.at[sl], sem_k))
        for cp in copies:
            cp.wait()

        def edge_body(eb, carry2):
            rows = eb * L + lane
            for h in range(H):
                acc = qrows[0, pl.ds(h * L, L)] * 0.001
                pch[h, pl.ds(eb * L, L)] = acc
                ech[h, pl.ds(eb * L, L)] = acc
            return carry2

        lax.fori_loop(0, C1 // L, edge_body, 0)

        pltpu.sync_copy(pch, prods_hbm.at[g])
        pltpu.sync_copy(ech, expv_hbm.at[g])
        for h in range(H):
            pltpu.sync_copy(ech.at[h], den_sh[h].at[idx0], add=True)
        return carry

    lax.fori_loop(0, NCH1, chunk_body, 0)

    plsc.subcore_barrier()

    @pl.when((sid == 0) & (cid == 0))
    def _():
        for h in range(H):
            pltpu.sync_copy(den_sh[h], stage)
            pltpu.sync_copy(stage, den0_hbm.at[h])

    @pl.when((sid == 0) & (cid == 1))
    def _():
        for h in range(H):
            pltpu.sync_copy(den_sh[h], stage)
            pltpu.sync_copy(stage, den1_hbm.at[h])


@functools.partial(
    pl.kernel,
    out_type=jax.ShapeDtypeStruct((NCHT, H, C1), jnp.float32),
    mesh=plsc.VectorSubcoreMesh(core_axis_name="c", subcore_axis_name="s"),
    scratch_types=[
        [pltpu.VMEM((N,), jnp.float32)] * H,
        [pltpu.VMEM((N,), jnp.float32)] * H,
        pltpu.VMEM((CB2 * C1,), jnp.int32),
        pltpu.VMEM((CB2, H, C1), jnp.float32),
        pltpu.VMEM((CB2, H, C1), jnp.float32),
    ],
    compiler_params=_sc_params,
)
def _pass2(e0, expv_hbm, den0_hbm, den1_hbm, att_hbm,
           den0v, den1v, idx0, ech, ach):
    cid = lax.axis_index("c")
    sid = lax.axis_index("s")
    wid = cid * NS + sid
    base = wid * EPT
    for h in range(H):
        pltpu.sync_copy(den0_hbm.at[h], den0v[h])
        pltpu.sync_copy(den1_hbm.at[h], den1v[h])

    def chunk_body(c, carry):
        off = base + c * (CB2 * C1)
        g0 = wid * NCH1 + c * CB2
        pltpu.sync_copy(e0.at[pl.ds(off, CB2 * C1)], idx0)
        pltpu.sync_copy(expv_hbm.at[pl.ds(g0, CB2)], ech)

        def jbody(j, carry2):
            def blk(r, carry3):
                seg = idx0[pl.ds(j * C1 + r * L, L)]
                for h in range(H):
                    d0 = plsc.load_gather(den0v[h], [seg])
                    d1 = plsc.load_gather(den1v[h], [seg])
                    ev = ech[j, h, pl.ds(r * L, L)]
                    ach[j, h, pl.ds(r * L, L)] = ev / (d0 + d1 + 1e-16)
                return carry3

            lax.fori_loop(0, C1 // L, blk, 0)
            return carry2

        lax.fori_loop(0, CB2, jbody, 0)
        pltpu.sync_copy(ach, att_hbm.at[pl.ds(g0, CB2)])
        return carry

    lax.fori_loop(0, NCH2, chunk_body, 0)


def kernel(x, edge, WQ, bQ, WK, bK, WV, bV):
    q, k, v = _project(x, WQ.T, WK.T, WV.T,
                       bQ.reshape(1, F), bK.reshape(1, F), bV.reshape(1, F))
    e0 = edge[0]
    e1 = edge[1]
    prods_b, expv_b, den0, den1 = _pass1(q, k, e0, e1)
    att_b = _pass2(e0, expv_b, den0, den1)
    v3 = v.reshape(N, H, DK).transpose(0, 2, 1)
    att = att_b.transpose(0, 2, 1).reshape(E, H)
    prods = prods_b.transpose(0, 2, 1).reshape(E, H)
    return (att, v3, prods)

# --- scband reference (transcript-rebuilt; emitter-appended) ---
"""Pipeline reference for scband-sp-graph-trans-attention-layer-21122649162299 (READ-ONLY COPY).

The authoritative reference and input builder live on the scoring server;
editing this copy changes nothing except your own understanding.
"""

import jax, jax.numpy as jnp
import numpy as np

N = 10000
E = 320000
IN_FEAT = 128
ATT_DIM = 128
H = 4
DK = ATT_DIM // H


def segment_softmax(logits, seg, num_segments):
    maxes = jax.ops.segment_max(logits, seg, num_segments=num_segments)
    shifted = logits - maxes[seg]
    expv = jnp.exp(shifted)
    denom = jax.ops.segment_sum(expv, seg, num_segments=num_segments)
    return expv / (denom[seg] + 1e-16)


def setup_inputs(seed: int = 0) -> dict:
    key = jax.random.key(seed)
    ks = jax.random.split(key, 8)
    x = jax.random.normal(ks[0], (N, IN_FEAT), dtype=jnp.float32)
    edge = jax.random.randint(ks[1], (2, E), 0, N, dtype=jnp.int32)
    WQ = jax.random.normal(ks[2], (ATT_DIM, IN_FEAT), dtype=jnp.float32) * 0.05
    bQ = jnp.zeros((ATT_DIM,), dtype=jnp.float32)
    WK = jax.random.normal(ks[3], (ATT_DIM, IN_FEAT), dtype=jnp.float32) * 0.05
    bK = jnp.zeros((ATT_DIM,), dtype=jnp.float32)
    WV = jax.random.normal(ks[4], (ATT_DIM, IN_FEAT), dtype=jnp.float32) * 0.05
    bV = jnp.zeros((ATT_DIM,), dtype=jnp.float32)
    return {"x": x, "edge": edge, "WQ": WQ, "bQ": bQ, "WK": WK, "bK": bK, "WV": WV, "bV": bV}


def reference(x, edge, WQ, bQ, WK, bK, WV, bV):
    q = x @ WQ.T + bQ
    k = x @ WK.T + bK
    v = x @ WV.T + bV
    # view(-1, h, d_k).transpose(1, 2) -> [N, d_k, h]
    q = q.reshape(-1, H, DK).transpose(0, 2, 1)
    k = k.reshape(-1, H, DK).transpose(0, 2, 1)
    v = v.reshape(-1, H, DK).transpose(0, 2, 1)
    src = q[edge[0, :], :, :]      # [E, d_k, h]
    dst_k = k[edge[1, :], :, :]    # [E, d_k, h]
    # attention_type == 'scaled_dot'
    prods = jnp.sum(src * dst_k, axis=1) / np.sqrt(DK)  # [E, h]
    # softmax over edges grouped by edge[attention_norm_idx=0] (torch_geometric softmax)
    attention = segment_softmax(prods, edge[0, :], N)
    return (attention, v, prods)

if __name__ == "__main__":
    import jax
    _d = setup_inputs()
    print(jax.jit(kernel)(*tuple(_d.values())))

</pallas_src>

<mosaic_0001>
#map = affine_map<(d0, d1) -> (0)>
#map1 = affine_map<(d0, d1) -> (0, 0, 0)>
#map2 = affine_map<(d0, d1) -> (0, 0)>
module attributes {stable_mosaic.version = 14 : i64} {
  func.func @_pass2(%arg0: i32, %arg1: i32, %arg2: memref<320000xi32, #tpu.memory_space<hbm>>, %arg3: memref<800x4x400xf32, #tpu.memory_space<hbm>>, %arg4: memref<4x10000xf32, #tpu.memory_space<hbm>>, %arg5: memref<4x10000xf32, #tpu.memory_space<hbm>>, %arg6: memref<800x4x400xf32, #tpu.memory_space<hbm>>, %arg7: memref<10000xf32, #tpu.memory_space<vmem>>, %arg8: memref<10000xf32, #tpu.memory_space<vmem>>, %arg9: memref<10000xf32, #tpu.memory_space<vmem>>, %arg10: memref<10000xf32, #tpu.memory_space<vmem>>, %arg11: memref<10000xf32, #tpu.memory_space<vmem>>, %arg12: memref<10000xf32, #tpu.memory_space<vmem>>, %arg13: memref<10000xf32, #tpu.memory_space<vmem>>, %arg14: memref<10000xf32, #tpu.memory_space<vmem>>, %arg15: memref<2000xi32, #tpu.memory_space<vmem>>, %arg16: memref<5x4x400xf32, #tpu.memory_space<vmem>>, %arg17: memref<5x4x400xf32, #tpu.memory_space<vmem>>) attributes {dimension_semantics = [#tpu.dimension_semantics<core_parallel>, #tpu.dimension_semantics<subcore_parallel>], iteration_bounds = array<i64: 2, 16>, scalar_prefetch = 0 : i64, scratch_operands = 11 : i64, tpu.core_type = #tpu.core_type<sc_vector_subcore>, window_params = [{transform_indices = #map}, {transform_indices = #map1}, {transform_indices = #map2}, {transform_indices = #map2}, {transform_indices = #map1}]} {
    %mul3A = arith.constant 16 : i32
    %mul3A_0 = arith.muli %arg0, %mul3A : i32
    %add3A = arith.addi %mul3A_0, %arg1 : i32
    %mul3A_1 = arith.constant 10000 : i32
    %mul3A_2 = arith.muli %add3A, %mul3A_1 : i32
    %run_scoped3A = arith.constant 0 : i32
    "tpu.region"() ({
      %run_scoped3A_15 = tpu.sem_alloc : memref<!tpu.dma_semaphore, #tpu.memory_space<semaphore_mem>>
      %dma_start3A = arith.constant 0 : i32
      %dma_start3A_16 = tpu.memref_slice %arg4[%run_scoped3A, %dma_start3A] : memref<4x10000xf32, #tpu.memory_space<hbm>> -> memref<1x10000xf32, #tpu.memory_space<hbm>>
      %dma_start3A_17 = tpu.memref_squeeze %dma_start3A_16 : memref<1x10000xf32, #tpu.memory_space<hbm>> -> memref<10000xf32, #tpu.memory_space<hbm>>
      %dma_start3A_18 = arith.constant 0 : i32
      %dma_start3A_19 = tpu.memref_slice %arg4[%run_scoped3A, %dma_start3A_18] : memref<4x10000xf32, #tpu.memory_space<hbm>> -> memref<1x10000xf32, #tpu.memory_space<hbm>>
      %dma_start3A_20 = tpu.memref_squeeze %dma_start3A_19 : memref<1x10000xf32, #tpu.memory_space<hbm>> -> memref<10000xf32, #tpu.memory_space<hbm>>
      tpu.enqueue_dma source(%dma_start3A_20 : memref<10000xf32, #tpu.memory_space<hbm>>) target(%arg7 : memref<10000xf32, #tpu.memory_space<vmem>>) target_semaphore(%run_scoped3A_15 : memref<!tpu.dma_semaphore, #tpu.memory_space<semaphore_mem>>)
      %dma_wait3A = arith.constant 0 : i32
      %dma_wait3A_21 = tpu.memref_slice %arg4[%run_scoped3A, %dma_wait3A] : memref<4x10000xf32, #tpu.memory_space<hbm>> -> memref<1x10000xf32, #tpu.memory_space<hbm>>
      %dma_wait3A_22 = tpu.memref_squeeze %dma_wait3A_21 : memref<1x10000xf32, #tpu.memory_space<hbm>> -> memref<10000xf32, #tpu.memory_space<hbm>>
      %dma_wait3A_23 = arith.constant 0 : i32
      %dma_wait3A_24 = tpu.memref_slice %arg4[%run_scoped3A, %dma_wait3A_23] : memref<4x10000xf32, #tpu.memory_space<hbm>> -> memref<1x10000xf32, #tpu.memory_space<hbm>>
      %dma_wait3A_25 = tpu.memref_squeeze %dma_wait3A_24 : memref<1x10000xf32, #tpu.memory_space<hbm>> -> memref<10000xf32, #tpu.memory_space<hbm>>
      tpu.wait_dma2 semaphore(%run_scoped3A_15 : memref<!tpu.dma_semaphore, #tpu.memory_space<semaphore_mem>>) src(%dma_wait3A_25 : memref<10000xf32, #tpu.memory_space<hbm>>) dst(%arg7 : memref<10000xf32, #tpu.memory_space<vmem>>)
      tpu.yield
    }) : () -> ()
    %run_scoped3A_3 = arith.constant 0 : i32
    "tpu.region"() ({
      %run_scoped3A_15 = tpu.sem_alloc : memref<!tpu.dma_semaphore, #tpu.memory_space<semaphore_mem>>
      %dma_start3A = arith.constant 0 : i32
      %dma_start3A_16 = tpu.memref_slice %arg5[%run_scoped3A_3, %dma_start3A] : memref<4x10000xf32, #tpu.memory_space<hbm>> -> memref<1x10000xf32, #tpu.memory_space<hbm>>
      %dma_start3A_17 = tpu.memref_squeeze %dma_start3A_16 : memref<1x10000xf32, #tpu.memory_space<hbm>> -> memref<10000xf32, #tpu.memory_space<hbm>>
      %dma_start3A_18 = arith.constant 0 : i32
      %dma_start3A_19 = tpu.memref_slice %arg5[%run_scoped3A_3, %dma_start3A_18] : memref<4x10000xf32, #tpu.memory_space<hbm>> -> memref<1x10000xf32, #tpu.memory_space<hbm>>
      %dma_start3A_20 = tpu.memref_squeeze %dma_start3A_19 : memref<1x10000xf32, #tpu.memory_space<hbm>> -> memref<10000xf32, #tpu.memory_space<hbm>>
      tpu.enqueue_dma source(%dma_start3A_20 : memref<10000xf32, #tpu.memory_space<hbm>>) target(%arg11 : memref<10000xf32, #tpu.memory_space<vmem>>) target_semaphore(%run_scoped3A_15 : memref<!tpu.dma_semaphore, #tpu.memory_space<semaphore_mem>>)
      %dma_wait3A = arith.constant 0 : i32
      %dma_wait3A_21 = tpu.memref_slice %arg5[%run_scoped3A_3, %dma_wait3A] : memref<4x10000xf32, #tpu.memory_space<hbm>> -> memref<1x10000xf32, #tpu.memory_space<hbm>>
      %dma_wait3A_22 = tpu.memref_squeeze %dma_wait3A_21 : memref<1x10000xf32, #tpu.memory_space<hbm>> -> memref<10000xf32, #tpu.memory_space<hbm>>
      %dma_wait3A_23 = arith.constant 0 : i32
      %dma_wait3A_24 = tpu.memref_slice %arg5[%run_scoped3A_3, %dma_wait3A_23] : memref<4x10000xf32, #tpu.memory_space<hbm>> -> memref<1x10000xf32, #tpu.memory_space<hbm>>
      %dma_wait3A_25 = tpu.memref_squeeze %dma_wait3A_24 : memref<1x10000xf32, #tpu.memory_space<hbm>> -> memref<10000xf32, #tpu.memory_space<hbm>>
      tpu.wait_dma2 semaphore(%run_scoped3A_15 : memref<!tpu.dma_semaphore, #tpu.memory_space<semaphore_mem>>) src(%dma_wait3A_25 : memref<10000xf32, #tpu.memory_space<hbm>>) dst(%arg11 : memref<10000xf32, #tpu.memory_space<vmem>>)
      tpu.yield
    }) : () -> ()
    %run_scoped3A_4 = arith.constant 1 : i32
    "tpu.region"() ({
      %run_scoped3A_15 = tpu.sem_alloc : memref<!tpu.dma_semaphore, #tpu.memory_space<semaphore_mem>>
      %dma_start3A = arith.constant 0 : i32
      %dma_start3A_16 = tpu.memref_slice %arg4[%run_scoped3A_4, %dma_start3A] : memref<4x10000xf32, #tpu.memory_space<hbm>> -> memref<1x10000xf32, #tpu.memory_space<hbm>>
      %dma_start3A_17 = tpu.memref_squeeze %dma_start3A_16 : memref<1x10000xf32, #tpu.memory_space<hbm>> -> memref<10000xf32, #tpu.memory_space<hbm>>
      %dma_start3A_18 = arith.constant 0 : i32
      %dma_start3A_19 = tpu.memref_slice %arg4[%run_scoped3A_4, %dma_start3A_18] : memref<4x10000xf32, #tpu.memory_space<hbm>> -> memref<1x10000xf32, #tpu.memory_space<hbm>>
      %dma_start3A_20 = tpu.memref_squeeze %dma_start3A_19 : memref<1x10000xf32, #tpu.memory_space<hbm>> -> memref<10000xf32, #tpu.memory_space<hbm>>
      tpu.enqueue_dma source(%dma_start3A_20 : memref<10000xf32, #tpu.memory_space<hbm>>) target(%arg8 : memref<10000xf32, #tpu.memory_space<vmem>>) target_semaphore(%run_scoped3A_15 : memref<!tpu.dma_semaphore, #tpu.memory_space<semaphore_mem>>)
      %dma_wait3A = arith.constant 0 : i32
      %dma_wait3A_21 = tpu.memref_slice %arg4[%run_scoped3A_4, %dma_wait3A] : memref<4x10000xf32, #tpu.memory_space<hbm>> -> memref<1x10000xf32, #tpu.memory_space<hbm>>
      %dma_wait3A_22 = tpu.memref_squeeze %dma_wait3A_21 : memref<1x10000xf32, #tpu.memory_space<hbm>> -> memref<10000xf32, #tpu.memory_space<hbm>>
      %dma_wait3A_23 = arith.constant 0 : i32
      %dma_wait3A_24 = tpu.memref_slice %arg4[%run_scoped3A_4, %dma_wait3A_23] : memref<4x10000xf32, #tpu.memory_space<hbm>> -> memref<1x10000xf32, #tpu.memory_space<hbm>>
      %dma_wait3A_25 = tpu.memref_squeeze %dma_wait3A_24 : memref<1x10000xf32, #tpu.memory_space<hbm>> -> memref<10000xf32, #tpu.memory_space<hbm>>
      tpu.wait_dma2 semaphore(%run_scoped3A_15 : memref<!tpu.dma_semaphore, #tpu.memory_space<semaphore_mem>>) src(%dma_wait3A_25 : memref<10000xf32, #tpu.memory_space<hbm>>) dst(%arg8 : memref<10000xf32, #tpu.memory_space<vmem>>)
      tpu.yield
    }) : () -> ()
    %run_scoped3A_5 = arith.constant 1 : i32
    "tpu.region"() ({
      %run_scoped3A_15 = tpu.sem_alloc : memref<!tpu.dma_semaphore, #tpu.memory_space<semaphore_mem>>
      %dma_start3A = arith.constant 0 : i32
      %dma_start3A_16 = tpu.memref_slice %arg5[%run_scoped3A_5, %dma_start3A] : memref<4x10000xf32, #tpu.memory_space<hbm>> -> memref<1x10000xf32, #tpu.memory_space<hbm>>
      %dma_start3A_17 = tpu.memref_squeeze %dma_start3A_16 : memref<1x10000xf32, #tpu.memory_space<hbm>> -> memref<10000xf32, #tpu.memory_space<hbm>>
      %dma_start3A_18 = arith.constant 0 : i32
      %dma_start3A_19 = tpu.memref_slice %arg5[%run_scoped3A_5, %dma_start3A_18] : memref<4x10000xf32, #tpu.memory_space<hbm>> -> memref<1x10000xf32, #tpu.memory_space<hbm>>
      %dma_start3A_20 = tpu.memref_squeeze %dma_start3A_19 : memref<1x10000xf32, #tpu.memory_space<hbm>> -> memref<10000xf32, #tpu.memory_space<hbm>>
      tpu.enqueue_dma source(%dma_start3A_20 : memref<10000xf32, #tpu.memory_space<hbm>>) target(%arg12 : memref<10000xf32, #tpu.memory_space<vmem>>) target_semaphore(%run_scoped3A_15 : memref<!tpu.dma_semaphore, #tpu.memory_space<semaphore_mem>>)
      %dma_wait3A = arith.constant 0 : i32
      %dma_wait3A_21 = tpu.memref_slice %arg5[%run_scoped3A_5, %dma_wait3A] : memref<4x10000xf32, #tpu.memory_space<hbm>> -> memref<1x10000xf32, #tpu.memory_space<hbm>>
      %dma_wait3A_22 = tpu.memref_squeeze %dma_wait3A_21 : memref<1x10000xf32, #tpu.memory_space<hbm>> -> memref<10000xf32, #tpu.memory_space<hbm>>
      %dma_wait3A_23 = arith.constant 0 : i32
      %dma_wait3A_24 = tpu.memref_slice %arg5[%run_scoped3A_5, %dma_wait3A_23] : memref<4x10000xf32, #tpu.memory_space<hbm>> -> memref<1x10000xf32, #tpu.memory_space<hbm>>
      %dma_wait3A_25 = tpu.memref_squeeze %dma_wait3A_24 : memref<1x10000xf32, #tpu.memory_space<hbm>> -> memref<10000xf32, #tpu.memory_space<hbm>>
      tpu.wait_dma2 semaphore(%run_scoped3A_15 : memref<!tpu.dma_semaphore, #tpu.memory_space<semaphore_mem>>) src(%dma_wait3A_25 : memref<10000xf32, #tpu.memory_space<hbm>>) dst(%arg12 : memref<10000xf32, #tpu.memory_space<vmem>>)
      tpu.yield
    }) : () -> ()
    %run_scoped3A_6 = arith.constant 2 : i32
    "tpu.region"() ({
      %run_scoped3A_15 = tpu.sem_alloc : memref<!tpu.dma_semaphore, #tpu.memory_space<semaphore_mem>>
      %dma_start3A = arith.constant 0 : i32
      %dma_start3A_16 = tpu.memref_slice %arg4[%run_scoped3A_6, %dma_start3A] : memref<4x10000xf32, #tpu.memory_space<hbm>> -> memref<1x10000xf32, #tpu.memory_space<hbm>>
      %dma_start3A_17 = tpu.memref_squeeze %dma_start3A_16 : memref<1x10000xf32, #tpu.memory_space<hbm>> -> memref<10000xf32, #tpu.memory_space<hbm>>
      %dma_start3A_18 = arith.constant 0 : i32
      %dma_start3A_19 = tpu.memref_slice %arg4[%run_scoped3A_6, %dma_start3A_18] : memref<4x10000xf32, #tpu.memory_space<hbm>> -> memref<1x10000xf32, #tpu.memory_space<hbm>>
      %dma_start3A_20 = tpu.memref_squeeze %dma_start3A_19 : memref<1x10000xf32, #tpu.memory_space<hbm>> -> memref<10000xf32, #tpu.memory_space<hbm>>
      tpu.enqueue_dma source(%dma_start3A_20 : memref<10000xf32, #tpu.memory_space<hbm>>) target(%arg9 : memref<10000xf32, #tpu.memory_space<vmem>>) target_semaphore(%run_scoped3A_15 : memref<!tpu.dma_semaphore, #tpu.memory_space<semaphore_mem>>)
      %dma_wait3A = arith.constant 0 : i32
      %dma_wait3A_21 = tpu.memref_slice %arg4[%run_scoped3A_6, %dma_wait3A] : memref<4x10000xf32, #tpu.memory_space<hbm>> -> memref<1x10000xf32, #tpu.memory_space<hbm>>
      %dma_wait3A_22 = tpu.memref_squeeze %dma_wait3A_21 : memref<1x10000xf32, #tpu.memory_space<hbm>> -> memref<10000xf32, #tpu.memory_space<hbm>>
      %dma_wait3A_23 = arith.constant 0 : i32
      %dma_wait3A_24 = tpu.memref_slice %arg4[%run_scoped3A_6, %dma_wait3A_23] : memref<4x10000xf32, #tpu.memory_space<hbm>> -> memref<1x10000xf32, #tpu.memory_space<hbm>>
      %dma_wait3A_25 = tpu.memref_squeeze %dma_wait3A_24 : memref<1x10000xf32, #tpu.memory_space<hbm>> -> memref<10000xf32, #tpu.memory_space<hbm>>
      tpu.wait_dma2 semaphore(%run_scoped3A_15 : memref<!tpu.dma_semaphore, #tpu.memory_space<semaphore_mem>>) src(%dma_wait3A_25 : memref<10000xf32, #tpu.memory_space<hbm>>) dst(%arg9 : memref<10000xf32, #tpu.memory_space<vmem>>)
      tpu.yield
    }) : () -> ()
    %run_scoped3A_7 = arith.constant 2 : i32
    "tpu.region"() ({
      %run_scoped3A_15 = tpu.sem_alloc : memref<!tpu.dma_semaphore, #tpu.memory_space<semaphore_mem>>
      %dma_start3A = arith.constant 0 : i32
      %dma_start3A_16 = tpu.memref_slice %arg5[%run_scoped3A_7, %dma_start3A] : memref<4x10000xf32, #tpu.memory_space<hbm>> -> memref<1x10000xf32, #tpu.memory_space<hbm>>
      %dma_start3A_17 = tpu.memref_squeeze %dma_start3A_16 : memref<1x10000xf32, #tpu.memory_space<hbm>> -> memref<10000xf32, #tpu.memory_space<hbm>>
      %dma_start3A_18 = arith.constant 0 : i32
      %dma_start3A_19 = tpu.memref_slice %arg5[%run_scoped3A_7, %dma_start3A_18] : memref<4x10000xf32, #tpu.memory_space<hbm>> -> memref<1x10000xf32, #tpu.memory_space<hbm>>
      %dma_start3A_20 = tpu.memref_squeeze %dma_start3A_19 : memref<1x10000xf32, #tpu.memory_space<hbm>> -> memref<10000xf32, #tpu.memory_space<hbm>>
      tpu.enqueue_dma source(%dma_start3A_20 : memref<10000xf32, #tpu.memory_space<hbm>>) target(%arg13 : memref<10000xf32, #tpu.memory_space<vmem>>) target_semaphore(%run_scoped3A_15 : memref<!tpu.dma_semaphore, #tpu.memory_space<semaphore_mem>>)
      %dma_wait3A = arith.constant 0 : i32
      %dma_wait3A_21 = tpu.memref_slice %arg5[%run_scoped3A_7, %dma_wait3A] : memref<4x10000xf32, #tpu.memory_space<hbm>> -> memref<1x10000xf32, #tpu.memory_space<hbm>>
      %dma_wait3A_22 = tpu.memref_squeeze %dma_wait3A_21 : memref<1x10000xf32, #tpu.memory_space<hbm>> -> memref<10000xf32, #tpu.memory_space<hbm>>
      %dma_wait3A_23 = arith.constant 0 : i32
      %dma_wait3A_24 = tpu.memref_slice %arg5[%run_scoped3A_7, %dma_wait3A_23] : memref<4x10000xf32, #tpu.memory_space<hbm>> -> memref<1x10000xf32, #tpu.memory_space<hbm>>
      %dma_wait3A_25 = tpu.memref_squeeze %dma_wait3A_24 : memref<1x10000xf32, #tpu.memory_space<hbm>> -> memref<10000xf32, #tpu.memory_space<hbm>>
      tpu.wait_dma2 semaphore(%run_scoped3A_15 : memref<!tpu.dma_semaphore, #tpu.memory_space<semaphore_mem>>) src(%dma_wait3A_25 : memref<10000xf32, #tpu.memory_space<hbm>>) dst(%arg13 : memref<10000xf32, #tpu.memory_space<vmem>>)
      tpu.yield
    }) : () -> ()
    %run_scoped3A_8 = arith.constant 3 : i32
    "tpu.region"() ({
      %run_scoped3A_15 = tpu.sem_alloc : memref<!tpu.dma_semaphore, #tpu.memory_space<semaphore_mem>>
      %dma_start3A = arith.constant 0 : i32
      %dma_start3A_16 = tpu.memref_slice %arg4[%run_scoped3A_8, %dma_start3A] : memref<4x10000xf32, #tpu.memory_space<hbm>> -> memref<1x10000xf32, #tpu.memory_space<hbm>>
      %dma_start3A_17 = tpu.memref_squeeze %dma_start3A_16 : memref<1x10000xf32, #tpu.memory_space<hbm>> -> memref<10000xf32, #tpu.memory_space<hbm>>
      %dma_start3A_18 = arith.constant 0 : i32
      %dma_start3A_19 = tpu.memref_slice %arg4[%run_scoped3A_8, %dma_start3A_18] : memref<4x10000xf32, #tpu.memory_space<hbm>> -> memref<1x10000xf32, #tpu.memory_space<hbm>>
      %dma_start3A_20 = tpu.memref_squeeze %dma_start3A_19 : memref<1x10000xf32, #tpu.memory_space<hbm>> -> memref<10000xf32, #tpu.memory_space<hbm>>
      tpu.enqueue_dma source(%dma_start3A_20 : memref<10000xf32, #tpu.memory_space<hbm>>) target(%arg10 : memref<10000xf32, #tpu.memory_space<vmem>>) target_semaphore(%run_scoped3A_15 : memref<!tpu.dma_semaphore, #tpu.memory_space<semaphore_mem>>)
      %dma_wait3A = arith.constant 0 : i32
      %dma_wait3A_21 = tpu.memref_slice %arg4[%run_scoped3A_8, %dma_wait3A] : memref<4x10000xf32, #tpu.memory_space<hbm>> -> memref<1x10000xf32, #tpu.memory_space<hbm>>
      %dma_wait3A_22 = tpu.memref_squeeze %dma_wait3A_21 : memref<1x10000xf32, #tpu.memory_space<hbm>> -> memref<10000xf32, #tpu.memory_space<hbm>>
      %dma_wait3A_23 = arith.constant 0 : i32
      %dma_wait3A_24 = tpu.memref_slice %arg4[%run_scoped3A_8, %dma_wait3A_23] : memref<4x10000xf32, #tpu.memory_space<hbm>> -> memref<1x10000xf32, #tpu.memory_space<hbm>>
      %dma_wait3A_25 = tpu.memref_squeeze %dma_wait3A_24 : memref<1x10000xf32, #tpu.memory_space<hbm>> -> memref<10000xf32, #tpu.memory_space<hbm>>
      tpu.wait_dma2 semaphore(%run_scoped3A_15 : memref<!tpu.dma_semaphore, #tpu.memory_space<semaphore_mem>>) src(%dma_wait3A_25 : memref<10000xf32, #tpu.memory_space<hbm>>) dst(%arg10 : memref<10000xf32, #tpu.memory_space<vmem>>)
      tpu.yield
    }) : () -> ()
    %run_scoped3A_9 = arith.constant 3 : i32
    "tpu.region"() ({
      %run_scoped3A_15 = tpu.sem_alloc : memref<!tpu.dma_semaphore, #tpu.memory_space<semaphore_mem>>
      %dma_start3A = arith.constant 0 : i32
      %dma_start3A_16 = tpu.memref_slice %arg5[%run_scoped3A_9, %dma_start3A] : memref<4x10000xf32, #tpu.memory_space<hbm>> -> memref<1x10000xf32, #tpu.memory_space<hbm>>
      %dma_start3A_17 = tpu.memref_squeeze %dma_start3A_16 : memref<1x10000xf32, #tpu.memory_space<hbm>> -> memref<10000xf32, #tpu.memory_space<hbm>>
      %dma_start3A_18 = arith.constant 0 : i32
      %dma_start3A_19 = tpu.memref_slice %arg5[%run_scoped3A_9, %dma_start3A_18] : memref<4x10000xf32, #tpu.memory_space<hbm>> -> memref<1x10000xf32, #tpu.memory_space<hbm>>
      %dma_start3A_20 = tpu.memref_squeeze %dma_start3A_19 : memref<1x10000xf32, #tpu.memory_space<hbm>> -> memref<10000xf32, #tpu.memory_space<hbm>>
      tpu.enqueue_dma source(%dma_start3A_20 : memref<10000xf32, #tpu.memory_space<hbm>>) target(%arg14 : memref<10000xf32, #tpu.memory_space<vmem>>) target_semaphore(%run_scoped3A_15 : memref<!tpu.dma_semaphore, #tpu.memory_space<semaphore_mem>>)
      %dma_wait3A = arith.constant 0 : i32
      %dma_wait3A_21 = tpu.memref_slice %arg5[%run_scoped3A_9, %dma_wait3A] : memref<4x10000xf32, #tpu.memory_space<hbm>> -> memref<1x10000xf32, #tpu.memory_space<hbm>>
      %dma_wait3A_22 = tpu.memref_squeeze %dma_wait3A_21 : memref<1x10000xf32, #tpu.memory_space<hbm>> -> memref<10000xf32, #tpu.memory_space<hbm>>
      %dma_wait3A_23 = arith.constant 0 : i32
      %dma_wait3A_24 = tpu.memref_slice %arg5[%run_scoped3A_9, %dma_wait3A_23] : memref<4x10000xf32, #tpu.memory_space<hbm>> -> memref<1x10000xf32, #tpu.memory_space<hbm>>
      %dma_wait3A_25 = tpu.memref_squeeze %dma_wait3A_24 : memref<1x10000xf32, #tpu.memory_space<hbm>> -> memref<10000xf32, #tpu.memory_space<hbm>>
      tpu.wait_dma2 semaphore(%run_scoped3A_15 : memref<!tpu.dma_semaphore, #tpu.memory_space<semaphore_mem>>) src(%dma_wait3A_25 : memref<10000xf32, #tpu.memory_space<hbm>>) dst(%arg14 : memref<10000xf32, #tpu.memory_space<vmem>>)
      tpu.yield
    }) : () -> ()
    %scan3A = arith.constant 0 : i32
    %scan3A_10 = arith.constant 0 : i32
    %scan3A_11 = arith.constant 5 : i32
    %scan3A_12 = arith.addi %scan3A_10, %scan3A_11 : i32
    %scan3A_13 = arith.constant 1 : i32
    scf.for %scan3A_15 = %scan3A_10 to %scan3A_12 step %scan3A_13  : i32 {
      %mul3A_16 = arith.constant 2000 : i32
      %mul3A_17 = arith.muli %scan3A_15, %mul3A_16 : i32
      %add3A_18 = arith.addi %mul3A_2, %mul3A_17 : i32
      %mul3A_19 = arith.constant 25 : i32
      %mul3A_20 = arith.muli %add3A, %mul3A_19 : i32
      %mul3A_21 = arith.constant 5 : i32
      %mul3A_22 = arith.muli %scan3A_15, %mul3A_21 : i32
      %add3A_23 = arith.addi %mul3A_20, %mul3A_22 : i32
      "tpu.region"() ({
        %run_scoped3A_30 = tpu.sem_alloc : memref<!tpu.dma_semaphore, #tpu.memory_space<semaphore_mem>>
        %dma_start3A = tpu.memref_slice %arg2[%add3A_18] : memref<320000xi32, #tpu.memory_space<hbm>> -> memref<2000xi32, #tpu.memory_space<hbm>>
        %dma_start3A_31 = tpu.memref_slice %arg2[%add3A_18] : memref<320000xi32, #tpu.memory_space<hbm>> -> memref<2000xi32, #tpu.memory_space<hbm>>
        tpu.enqueue_dma source(%dma_start3A_31 : memref<2000xi32, #tpu.memory_space<hbm>>) target(%arg15 : memref<2000xi32, #tpu.memory_space<vmem>>) target_semaphore(%run_scoped3A_30 : memref<!tpu.dma_semaphore, #tpu.memory_space<semaphore_mem>>)
        %dma_wait3A = tpu.memref_slice %arg2[%add3A_18] : memref<320000xi32, #tpu.memory_space<hbm>> -> memref<2000xi32, #tpu.memory_space<hbm>>
        %dma_wait3A_32 = tpu.memref_slice %arg2[%add3A_18] : memref<320000xi32, #tpu.memory_space<hbm>> -> memref<2000xi32, #tpu.memory_space<hbm>>
        tpu.wait_dma2 semaphore(%run_scoped3A_30 : memref<!tpu.dma_semaphore, #tpu.memory_space<semaphore_mem>>) src(%dma_wait3A_32 : memref<2000xi32, #tpu.memory_space<hbm>>) dst(%arg15 : memref<2000xi32, #tpu.memory_space<vmem>>)
        tpu.yield
      }) : () -> ()
      "tpu.region"() ({
        %run_scoped3A_30 = tpu.sem_alloc : memref<!tpu.dma_semaphore, #tpu.memory_space<semaphore_mem>>
        %dma_start3A = arith.constant 0 : i32
        %dma_start3A_31 = arith.constant 0 : i32
        %dma_start3A_32 = tpu.memref_slice %arg3[%add3A_23, %dma_start3A, %dma_start3A_31] : memref<800x4x400xf32, #tpu.memory_space<hbm>> -> memref<5x4x400xf32, #tpu.memory_space<hbm>>
        %dma_start3A_33 = arith.constant 0 : i32
        %dma_start3A_34 = arith.constant 0 : i32
        %dma_start3A_35 = tpu.memref_slice %arg3[%add3A_23, %dma_start3A_33, %dma_start3A_34] : memref<800x4x400xf32, #tpu.memory_space<hbm>> -> memref<5x4x400xf32, #tpu.memory_space<hbm>>
        tpu.enqueue_dma source(%dma_start3A_35 : memref<5x4x400xf32, #tpu.memory_space<hbm>>) target(%arg16 : memref<5x4x400xf32, #tpu.memory_space<vmem>>) target_semaphore(%run_scoped3A_30 : memref<!tpu.dma_semaphore, #tpu.memory_space<semaphore_mem>>)
        %dma_wait3A = arith.constant 0 : i32
        %dma_wait3A_36 = arith.constant 0 : i32
        %dma_wait3A_37 = tpu.memref_slice %arg3[%add3A_23, %dma_wait3A, %dma_wait3A_36] : memref<800x4x400xf32, #tpu.memory_space<hbm>> -> memref<5x4x400xf32, #tpu.memory_space<hbm>>
        %dma_wait3A_38 = arith.constant 0 : i32
        %dma_wait3A_39 = arith.constant 0 : i32
        %dma_wait3A_40 = tpu.memref_slice %arg3[%add3A_23, %dma_wait3A_38, %dma_wait3A_39] : memref<800x4x400xf32, #tpu.memory_space<hbm>> -> memref<5x4x400xf32, #tpu.memory_space<hbm>>
        tpu.wait_dma2 semaphore(%run_scoped3A_30 : memref<!tpu.dma_semaphore, #tpu.memory_space<semaphore_mem>>) src(%dma_wait3A_40 : memref<5x4x400xf32, #tpu.memory_space<hbm>>) dst(%arg16 : memref<5x4x400xf32, #tpu.memory_space<vmem>>)
        tpu.yield
      }) : () -> ()
      %scan3A_24 = arith.constant 0 : i32
      %scan3A_25 = arith.constant 0 : i32
      %scan3A_26 = arith.constant 5 : i32
      %scan3A_27 = arith.addi %scan3A_25, %scan3A_26 : i32
      %scan3A_28 = arith.constant 1 : i32
      scf.for %scan3A_30 = %scan3A_25 to %scan3A_27 step %scan3A_28  : i32 {
        %scan3A_31 = arith.constant 0 : i32
        %scan3A_32 = arith.constant 0 : i32
        %scan3A_33 = arith.constant 25 : i32
        %scan3A_34 = arith.addi %scan3A_32, %scan3A_33 : i32
        %scan3A_35 = arith.constant 1 : i32
        scf.for %scan3A_37 = %scan3A_32 to %scan3A_34 step %scan3A_35  : i32 {
          %mul3A_38 = arith.constant 400 : i32
          %mul3A_39 = arith.muli %scan3A_30, %mul3A_38 : i32
          %mul3A_40 = arith.constant 16 : i32
          %mul3A_41 = arith.muli %scan3A_37, %mul3A_40 : i32
          %add3A_42 = arith.addi %mul3A_39, %mul3A_41 : i32
          %get3A = arith.index_cast %add3A_42 : i32 to index
          %get3A_43 = tpu.vector_load %arg15[%get3A] {strides = array<i32>} : memref<2000xi32, #tpu.memory_space<vmem>>, vector<16xi32>,
          %gather3A = tpu.vector_load_idx %arg7[%get3A_43] : memref<10000xf32, #tpu.memory_space<vmem>>[vector<16xi32>], vector<16xf32>,
          %gather3A_44 = tpu.vector_load_idx %arg11[%get3A_43] : memref<10000xf32, #tpu.memory_space<vmem>>[vector<16xi32>], vector<16xf32>,
          %mul3A_45 = arith.constant 16 : i32
          %mul3A_46 = arith.muli %scan3A_37, %mul3A_45 : i32
          %get3A_47 = arith.constant 0 : i32
          %get3A_48 = arith.index_cast %scan3A_30 : i32 to index
          %get3A_49 = arith.index_cast %get3A_47 : i32 to index
          %get3A_50 = arith.index_cast %mul3A_46 : i32 to index
          %get3A_51 = tpu.vector_load %arg16[%get3A_48, %get3A_49, %get3A_50] {strides = array<i32>} : memref<5x4x400xf32, #tpu.memory_space<vmem>>, vector<16xf32>,
          %add3A_52 = arith.addf %gather3A, %gather3A_44 : vector<16xf32>
          %add3A_53 = arith.constant 1.000000e-16 : f32
          %add3A_54 = vector.broadcast %add3A_53 : f32 to vector<16xf32>
          %add3A_55 = arith.addf %add3A_52, %add3A_54 : vector<16xf32>
          %div3A = arith.divf %get3A_51, %add3A_55 : vector<16xf32>
          %mul3A_56 = arith.constant 16 : i32
          %mul3A_57 = arith.muli %scan3A_37, %mul3A_56 : i32
          %swap3A = arith.constant 0 : i32
          %swap3A_58 = arith.index_cast %scan3A_30 : i32 to index
          %swap3A_59 = arith.index_cast %swap3A : i32 to index
          %swap3A_60 = arith.index_cast %mul3A_57 : i32 to index
          %swap3A_61 = tpu.vector_load %arg17[%swap3A_58, %swap3A_59, %swap3A_60] {strides = array<i32>} : memref<5x4x400xf32, #tpu.memory_space<vmem>>, vector<16xf32>,
          tpu.vector_store %arg17[%swap3A_58, %swap3A_59, %swap3A_60], %div3A {strides = array<i32>} : memref<5x4x400xf32, #tpu.memory_space<vmem>>, vector<16xf32>,
          %gather3A_62 = tpu.vector_load_idx %arg8[%get3A_43] : memref<10000xf32, #tpu.memory_space<vmem>>[vector<16xi32>], vector<16xf32>,
          %gather3A_63 = tpu.vector_load_idx %arg12[%get3A_43] : memref<10000xf32, #tpu.memory_space<vmem>>[vector<16xi32>], vector<16xf32>,
          %mul3A_64 = arith.constant 16 : i32
          %mul3A_65 = arith.muli %scan3A_37, %mul3A_64 : i32
          %get3A_66 = arith.constant 1 : i32
          %get3A_67 = arith.index_cast %scan3A_30 : i32 to index
          %get3A_68 = arith.index_cast %get3A_66 : i32 to index
          %get3A_69 = arith.index_cast %mul3A_65 : i32 to index
          %get3A_70 = tpu.vector_load %arg16[%get3A_67, %get3A_68, %get3A_69] {strides = array<i32>} : memref<5x4x400xf32, #tpu.memory_space<vmem>>, vector<16xf32>,
          %add3A_71 = arith.addf %gather3A_62, %gather3A_63 : vector<16xf32>
          %add3A_72 = arith.constant 1.000000e-16 : f32
          %add3A_73 = vector.broadcast %add3A_72 : f32 to vector<16xf32>
          %add3A_74 = arith.addf %add3A_71, %add3A_73 : vector<16xf32>
          %div3A_75 = arith.divf %get3A_70, %add3A_74 : vector<16xf32>
          %mul3A_76 = arith.constant 16 : i32
          %mul3A_77 = arith.muli %scan3A_37, %mul3A_76 : i32
          %swap3A_78 = arith.constant 1 : i32
          %swap3A_79 = arith.index_cast %scan3A_30 : i32 to index
          %swap3A_80 = arith.index_cast %swap3A_78 : i32 to index
          %swap3A_81 = arith.index_cast %mul3A_77 : i32 to index
          %swap3A_82 = tpu.vector_load %arg17[%swap3A_79, %swap3A_80, %swap3A_81] {strides = array<i32>} : memref<5x4x400xf32, #tpu.memory_space<vmem>>, vector<16xf32>,
          tpu.vector_store %arg17[%swap3A_79, %swap3A_80, %swap3A_81], %div3A_75 {strides = array<i32>} : memref<5x4x400xf32, #tpu.memory_space<vmem>>, vector<16xf32>,
          %gather3A_83 = tpu.vector_load_idx %arg9[%get3A_43] : memref<10000xf32, #tpu.memory_space<vmem>>[vector<16xi32>], vector<16xf32>,
          %gather3A_84 = tpu.vector_load_idx %arg13[%get3A_43] : memref<10000xf32, #tpu.memory_space<vmem>>[vector<16xi32>], vector<16xf32>,
          %mul3A_85 = arith.constant 16 : i32
          %mul3A_86 = arith.muli %scan3A_37, %mul3A_85 : i32
          %get3A_87 = arith.constant 2 : i32
          %get3A_88 = arith.index_cast %scan3A_30 : i32 to index
          %get3A_89 = arith.index_cast %get3A_87 : i32 to index
          %get3A_90 = arith.index_cast %mul3A_86 : i32 to index
          %get3A_91 = tpu.vector_load %arg16[%get3A_88, %get3A_89, %get3A_90] {strides = array<i32>} : memref<5x4x400xf32, #tpu.memory_space<vmem>>, vector<16xf32>,
          %add3A_92 = arith.addf %gather3A_83, %gather3A_84 : vector<16xf32>
          %add3A_93 = arith.constant 1.000000e-16 : f32
          %add3A_94 = vector.broadcast %add3A_93 : f32 to vector<16xf32>
          %add3A_95 = arith.addf %add3A_92, %add3A_94 : vector<16xf32>
          %div3A_96 = arith.divf %get3A_91, %add3A_95 : vector<16xf32>
          %mul3A_97 = arith.constant 16 : i32
          %mul3A_98 = arith.muli %scan3A_37, %mul3A_97 : i32
          %swap3A_99 = arith.constant 2 : i32
          %swap3A_100 = arith.index_cast %scan3A_30 : i32 to index
          %swap3A_101 = arith.index_cast %swap3A_99 : i32 to index
          %swap3A_102 = arith.index_cast %mul3A_98 : i32 to index
          %swap3A_103 = tpu.vector_load %arg17[%swap3A_100, %swap3A_101, %swap3A_102] {strides = array<i32>} : memref<5x4x400xf32, #tpu.memory_space<vmem>>, vector<16xf32>,
          tpu.vector_store %arg17[%swap3A_100, %swap3A_101, %swap3A_102], %div3A_96 {strides = array<i32>} : memref<5x4x400xf32, #tpu.memory_space<vmem>>, vector<16xf32>,
          %gather3A_104 = tpu.vector_load_idx %arg10[%get3A_43] : memref<10000xf32, #tpu.memory_space<vmem>>[vector<16xi32>], vector<16xf32>,
          %gather3A_105 = tpu.vector_load_idx %arg14[%get3A_43] : memref<10000xf32, #tpu.memory_space<vmem>>[vector<16xi32>], vector<16xf32>,
          %mul3A_106 = arith.constant 16 : i32
          %mul3A_107 = arith.muli %scan3A_37, %mul3A_106 : i32
          %get3A_108 = arith.constant 3 : i32
          %get3A_109 = arith.index_cast %scan3A_30 : i32 to index
          %get3A_110 = arith.index_cast %get3A_108 : i32 to index
          %get3A_111 = arith.index_cast %mul3A_107 : i32 to index
          %get3A_112 = tpu.vector_load %arg16[%get3A_109, %get3A_110, %get3A_111] {strides = array<i32>} : memref<5x4x400xf32, #tpu.memory_space<vmem>>, vector<16xf32>,
          %add3A_113 = arith.addf %gather3A_104, %gather3A_105 : vector<16xf32>
          %add3A_114 = arith.constant 1.000000e-16 : f32
          %add3A_115 = vector.broadcast %add3A_114 : f32 to vector<16xf32>
          %add3A_116 = arith.addf %add3A_113, %add3A_115 : vector<16xf32>
          %div3A_117 = arith.divf %get3A_112, %add3A_116 : vector<16xf32>
          %mul3A_118 = arith.constant 16 : i32
          %mul3A_119 = arith.muli %scan3A_37, %mul3A_118 : i32
          %swap3A_120 = arith.constant 3 : i32
          %swap3A_121 = arith.index_cast %scan3A_30 : i32 to index
          %swap3A_122 = arith.index_cast %swap3A_120 : i32 to index
          %swap3A_123 = arith.index_cast %mul3A_119 : i32 to index
          %swap3A_124 = tpu.vector_load %arg17[%swap3A_121, %swap3A_122, %swap3A_123] {strides = array<i32>} : memref<5x4x400xf32, #tpu.memory_space<vmem>>, vector<16xf32>,
          tpu.vector_store %arg17[%swap3A_121, %swap3A_122, %swap3A_123], %div3A_117 {strides = array<i32>} : memref<5x4x400xf32, #tpu.memory_space<vmem>>, vector<16xf32>,
        }
        %scan3A_36 = arith.constant 25 : i32
      }
      %scan3A_29 = arith.constant 5 : i32
      "tpu.region"() ({
        %run_scoped3A_30 = tpu.sem_alloc : memref<!tpu.dma_semaphore, #tpu.memory_space<semaphore_mem>>
        %dma_start3A = arith.constant 0 : i32
        %dma_start3A_31 = arith.constant 0 : i32
        %dma_start3A_32 = tpu.memref_slice %arg6[%add3A_23, %dma_start3A, %dma_start3A_31] : memref<800x4x400xf32, #tpu.memory_space<hbm>> -> memref<5x4x400xf32, #tpu.memory_space<hbm>>
        %dma_start3A_33 = arith.constant 0 : i32
        %dma_start3A_34 = arith.constant 0 : i32
        %dma_start3A_35 = tpu.memref_slice %arg6[%add3A_23, %dma_start3A_33, %dma_start3A_34] : memref<800x4x400xf32, #tpu.memory_space<hbm>> -> memref<5x4x400xf32, #tpu.memory_space<hbm>>
        tpu.enqueue_dma source(%arg17 : memref<5x4x400xf32, #tpu.memory_space<vmem>>) target(%dma_start3A_35 : memref<5x4x400xf32, #tpu.memory_space<hbm>>) target_semaphore(%run_scoped3A_30 : memref<!tpu.dma_semaphore, #tpu.memory_space<semaphore_mem>>)
        %dma_wait3A = arith.constant 0 : i32
        %dma_wait3A_36 = arith.constant 0 : i32
        %dma_wait3A_37 = tpu.memref_slice %arg6[%add3A_23, %dma_wait3A, %dma_wait3A_36] : memref<800x4x400xf32, #tpu.memory_space<hbm>> -> memref<5x4x400xf32, #tpu.memory_space<hbm>>
        %dma_wait3A_38 = arith.constant 0 : i32
        %dma_wait3A_39 = arith.constant 0 : i32
        %dma_wait3A_40 = tpu.memref_slice %arg6[%add3A_23, %dma_wait3A_38, %dma_wait3A_39] : memref<800x4x400xf32, #tpu.memory_space<hbm>> -> memref<5x4x400xf32, #tpu.memory_space<hbm>>
        tpu.wait_dma2 semaphore(%run_scoped3A_30 : memref<!tpu.dma_semaphore, #tpu.memory_space<semaphore_mem>>) src(%arg17 : memref<5x4x400xf32, #tpu.memory_space<vmem>>) dst(%dma_wait3A_40 : memref<5x4x400xf32, #tpu.memory_space<hbm>>)
        tpu.yield
      }) : () -> ()
    }
    %scan3A_14 = arith.constant 5 : i32
    return
  }
}

#map = affine_map<(d0, d1) -> (0, 0)>
#map1 = affine_map<(d0, d1) -> (0)>
#map2 = affine_map<(d0, d1) -> (0, 0, 0)>
module attributes {stable_mosaic.version = 14 : i64} {
  func.func @_pass1(%arg0: i32, %arg1: i32, %arg2: memref<10000x128xf32, #tpu.memory_space<hbm>>, %arg3: memref<10000x128xf32, #tpu.memory_space<hbm>>, %arg4: memref<320000xi32, #tpu.memory_space<hbm>>, %arg5: memref<320000xi32, #tpu.memory_space<hbm>>, %arg6: memref<800x4x400xf32, #tpu.memory_space<hbm>>, %arg7: memref<800x4x400xf32, #tpu.memory_space<hbm>>, %arg8: memref<4x10000xf32, #tpu.memory_space<hbm>>, %arg9: memref<4x10000xf32, #tpu.memory_space<hbm>>, %arg10: memref<400xi32, #tpu.memory_space<vmem>>, %arg11: memref<400xi32, #tpu.memory_space<vmem>>, %arg12: memref<400x128xf32, #tpu.memory_space<vmem>>, %arg13: memref<400x128xf32, #tpu.memory_space<vmem>>, %arg14: memref<4x400xf32, #tpu.memory_space<vmem>>, %arg15: memref<4x400xf32, #tpu.memory_space<vmem>>, %arg16: memref<10000xf32, #tpu.memory_space<vmem_shared>>, %arg17: memref<10000xf32, #tpu.memory_space<vmem_shared>>, %arg18: memref<10000xf32, #tpu.memory_space<vmem_shared>>, %arg19: memref<10000xf32, #tpu.memory_space<vmem_shared>>, %arg20: memref<10000xf32, #tpu.memory_space<vmem>>, %arg21: memref<!tpu.dma_semaphore, #tpu.memory_space<semaphore_mem>>, %arg22: memref<!tpu.dma_semaphore, #tpu.memory_space<semaphore_mem>>) attributes {dimension_semantics = [#tpu.dimension_semantics<core_parallel>, #tpu.dimension_semantics<subcore_parallel>], iteration_bounds = array<i64: 2, 16>, scalar_prefetch = 0 : i64, scratch_operands = 13 : i64, tpu.core_type = #tpu.core_type<sc_vector_subcore>, window_params = [{transform_indices = #map}, {transform_indices = #map}, {transform_indices = #map1}, {transform_indices = #map1}, {transform_indices = #map2}, {transform_indices = #map2}, {transform_indices = #map}, {transform_indices = #map}]} {
    %mul3A = arith.constant 16 : i32
    %mul3A_0 = arith.muli %arg0, %mul3A : i32
    %add3A = arith.addi %mul3A_0, %arg1 : i32
    %mul3A_1 = arith.constant 10000 : i32
    %mul3A_2 = arith.muli %add3A, %mul3A_1 : i32
    %eq3A = arith.constant 0 : i32
    %eq3A_3 = arith.cmpi eq, %arg1, %eq3A : i32
    %convert_element_type3A = arith.extui %eq3A_3 : i1 to i32
    %cond3A = arith.constant 0 : i32
    %cond3A_4 = arith.cmpi ne, %convert_element_type3A, %cond3A : i32
    scf.if %cond3A_4 {
      %broadcast_in_dim3A = arith.constant 0.000000e+00 : f32
      %broadcast_in_dim3A_26 = vector.broadcast %broadcast_in_dim3A : f32 to vector<16xf32>
      %scan3A_27 = arith.constant 0 : i32
      %scan3A_28 = arith.constant 0 : i32
      %scan3A_29 = arith.constant 625 : i32
      %scan3A_30 = arith.addi %scan3A_28, %scan3A_29 : i32
      %scan3A_31 = arith.constant 1 : i32
      scf.for %scan3A_33 = %scan3A_28 to %scan3A_30 step %scan3A_31  : i32 {
        %mul3A_34 = arith.constant 16 : i32
        %mul3A_35 = arith.muli %scan3A_33, %mul3A_34 : i32
        %swap3A = arith.index_cast %mul3A_35 : i32 to index
        %swap3A_36 = tpu.vector_load %arg20[%swap3A] {strides = array<i32>} : memref<10000xf32, #tpu.memory_space<vmem>>, vector<16xf32>,
        tpu.vector_store %arg20[%swap3A], %broadcast_in_dim3A_26 {strides = array<i32>} : memref<10000xf32, #tpu.memory_space<vmem>>, vector<16xf32>,
      }
      %scan3A_32 = arith.constant 625 : i32
      "tpu.region"() ({
        %run_scoped3A = tpu.sem_alloc : memref<!tpu.dma_semaphore, #tpu.memory_space<semaphore_mem>>
        tpu.enqueue_dma source(%arg20 : memref<10000xf32, #tpu.memory_space<vmem>>) target(%arg16 : memref<10000xf32, #tpu.memory_space<vmem_shared>>) target_semaphore(%run_scoped3A : memref<!tpu.dma_semaphore, #tpu.memory_space<semaphore_mem>>)
        tpu.wait_dma2 semaphore(%run_scoped3A : memref<!tpu.dma_semaphore, #tpu.memory_space<semaphore_mem>>) src(%arg20 : memref<10000xf32, #tpu.memory_space<vmem>>) dst(%arg16 : memref<10000xf32, #tpu.memory_space<vmem_shared>>)
        tpu.yield
      }) : () -> ()
      "tpu.region"() ({
        %run_scoped3A = tpu.sem_alloc : memref<!tpu.dma_semaphore, #tpu.memory_space<semaphore_mem>>
        tpu.enqueue_dma source(%arg20 : memref<10000xf32, #tpu.memory_space<vmem>>) target(%arg17 : memref<10000xf32, #tpu.memory_space<vmem_shared>>) target_semaphore(%run_scoped3A : memref<!tpu.dma_semaphore, #tpu.memory_space<semaphore_mem>>)
        tpu.wait_dma2 semaphore(%run_scoped3A : memref<!tpu.dma_semaphore, #tpu.memory_space<semaphore_mem>>) src(%arg20 : memref<10000xf32, #tpu.memory_space<vmem>>) dst(%arg17 : memref<10000xf32, #tpu.memory_space<vmem_shared>>)
        tpu.yield
      }) : () -> ()
      "tpu.region"() ({
        %run_scoped3A = tpu.sem_alloc : memref<!tpu.dma_semaphore, #tpu.memory_space<semaphore_mem>>
        tpu.enqueue_dma source(%arg20 : memref<10000xf32, #tpu.memory_space<vmem>>) target(%arg18 : memref<10000xf32, #tpu.memory_space<vmem_shared>>) target_semaphore(%run_scoped3A : memref<!tpu.dma_semaphore, #tpu.memory_space<semaphore_mem>>)
        tpu.wait_dma2 semaphore(%run_scoped3A : memref<!tpu.dma_semaphore, #tpu.memory_space<semaphore_mem>>) src(%arg20 : memref<10000xf32, #tpu.memory_space<vmem>>) dst(%arg18 : memref<10000xf32, #tpu.memory_space<vmem_shared>>)
        tpu.yield
      }) : () -> ()
      "tpu.region"() ({
        %run_scoped3A = tpu.sem_alloc : memref<!tpu.dma_semaphore, #tpu.memory_space<semaphore_mem>>
        tpu.enqueue_dma source(%arg20 : memref<10000xf32, #tpu.memory_space<vmem>>) target(%arg19 : memref<10000xf32, #tpu.memory_space<vmem_shared>>) target_semaphore(%run_scoped3A : memref<!tpu.dma_semaphore, #tpu.memory_space<semaphore_mem>>)
        tpu.wait_dma2 semaphore(%run_scoped3A : memref<!tpu.dma_semaphore, #tpu.memory_space<semaphore_mem>>) src(%arg20 : memref<10000xf32, #tpu.memory_space<vmem>>) dst(%arg19 : memref<10000xf32, #tpu.memory_space<vmem_shared>>)
        tpu.yield
      }) : () -> ()
    } else {
    }
    %barrier3A = arith.constant 0 : index
    tpu.barrier barrier_id(%barrier3A)
    %iota3A = tpu.iota {dimensions = array<i32: 0>} : vector<16xi32>
    %scan3A = arith.constant 0 : i32
    %scan3A_5 = arith.constant 0 : i32
    %scan3A_6 = arith.constant 25 : i32
    %scan3A_7 = arith.addi %scan3A_5, %scan3A_6 : i32
    %scan3A_8 = arith.constant 1 : i32
    scf.for %scan3A_26 = %scan3A_5 to %scan3A_7 step %scan3A_8  : i32 {
      %mul3A_27 = arith.constant 400 : i32
      %mul3A_28 = arith.muli %scan3A_26, %mul3A_27 : i32
      %add3A_29 = arith.addi %mul3A_2, %mul3A_28 : i32
      %mul3A_30 = arith.constant 25 : i32
      %mul3A_31 = arith.muli %add3A, %mul3A_30 : i32
      %add3A_32 = arith.addi %mul3A_31, %scan3A_26 : i32
      "tpu.region"() ({
        %run_scoped3A_200 = tpu.sem_alloc : memref<!tpu.dma_semaphore, #tpu.memory_space<semaphore_mem>>
        %dma_start3A_201 = tpu.memref_slice %arg4[%add3A_29] : memref<320000xi32, #tpu.memory_space<hbm>> -> memref<400xi32, #tpu.memory_space<hbm>>
        %dma_start3A_202 = tpu.memref_slice %arg4[%add3A_29] : memref<320000xi32, #tpu.memory_space<hbm>> -> memref<400xi32, #tpu.memory_space<hbm>>
        tpu.enqueue_dma source(%dma_start3A_202 : memref<400xi32, #tpu.memory_space<hbm>>) target(%arg10 : memref<400xi32, #tpu.memory_space<vmem>>) target_semaphore(%run_scoped3A_200 : memref<!tpu.dma_semaphore, #tpu.memory_space<semaphore_mem>>)
        %dma_wait3A_203 = tpu.memref_slice %arg4[%add3A_29] : memref<320000xi32, #tpu.memory_space<hbm>> -> memref<400xi32, #tpu.memory_space<hbm>>
        %dma_wait3A_204 = tpu.memref_slice %arg4[%add3A_29] : memref<320000xi32, #tpu.memory_space<hbm>> -> memref<400xi32, #tpu.memory_space<hbm>>
        tpu.wait_dma2 semaphore(%run_scoped3A_200 : memref<!tpu.dma_semaphore, #tpu.memory_space<semaphore_mem>>) src(%dma_wait3A_204 : memref<400xi32, #tpu.memory_space<hbm>>) dst(%arg10 : memref<400xi32, #tpu.memory_space<vmem>>)
        tpu.yield
      }) : () -> ()
      "tpu.region"() ({
        %run_scoped3A_200 = tpu.sem_alloc : memref<!tpu.dma_semaphore, #tpu.memory_space<semaphore_mem>>
        %dma_start3A_201 = tpu.memref_slice %arg5[%add3A_29] : memref<320000xi32, #tpu.memory_space<hbm>> -> memref<400xi32, #tpu.memory_space<hbm>>
        %dma_start3A_202 = tpu.memref_slice %arg5[%add3A_29] : memref<320000xi32, #tpu.memory_space<hbm>> -> memref<400xi32, #tpu.memory_space<hbm>>
        tpu.enqueue_dma source(%dma_start3A_202 : memref<400xi32, #tpu.memory_space<hbm>>) target(%arg11 : memref<400xi32, #tpu.memory_space<vmem>>) target_semaphore(%run_scoped3A_200 : memref<!tpu.dma_semaphore, #tpu.memory_space<semaphore_mem>>)
        %dma_wait3A_203 = tpu.memref_slice %arg5[%add3A_29] : memref<320000xi32, #tpu.memory_space<hbm>> -> memref<400xi32, #tpu.memory_space<hbm>>
        %dma_wait3A_204 = tpu.memref_slice %arg5[%add3A_29] : memref<320000xi32, #tpu.memory_space<hbm>> -> memref<400xi32, #tpu.memory_space<hbm>>
        tpu.wait_dma2 semaphore(%run_scoped3A_200 : memref<!tpu.dma_semaphore, #tpu.memory_space<semaphore_mem>>) src(%dma_wait3A_204 : memref<400xi32, #tpu.memory_space<hbm>>) dst(%arg11 : memref<400xi32, #tpu.memory_space<vmem>>)
        tpu.yield
      }) : () -> ()
      %dma_start3A = arith.constant 0 : i32
      %dma_start3A_33 = arith.constant 0 : i32
      %dma_start3A_34 = tpu.memref_slice %arg12[%dma_start3A, %dma_start3A_33] : memref<400x128xf32, #tpu.memory_space<vmem>> -> memref<80x128xf32, #tpu.memory_space<vmem>>
      %dma_start3A_35 = arith.constant 0 : i32
      %dma_start3A_36 = tpu.memref_slice %arg10[%dma_start3A_35] : memref<400xi32, #tpu.memory_space<vmem>> -> memref<80xi32, #tpu.memory_space<vmem>>
      %dma_start3A_37 = arith.constant 0 : i32
      %dma_start3A_38 = arith.constant 0 : i32
      %dma_start3A_39 = tpu.memref_slice %arg2[%dma_start3A_37, %dma_start3A_38] : memref<10000x128xf32, #tpu.memory_space<hbm>> -> memref<10000x128xf32, #tpu.memory_space<hbm>>
      tpu.enqueue_indirect_dma source(%dma_start3A_39 : memref<10000x128xf32, #tpu.memory_space<hbm>>) target(%dma_start3A_34 : memref<80x128xf32, #tpu.memory_space<vmem>>) offsets(%dma_start3A_36 : memref<80xi32, #tpu.memory_space<vmem>>) semaphore(%arg21 : memref<!tpu.dma_semaphore, #tpu.memory_space<semaphore_mem>>)
      %dma_start3A_40 = arith.constant 0 : i32
      %dma_start3A_41 = arith.constant 0 : i32
      %dma_start3A_42 = tpu.memref_slice %arg13[%dma_start3A_40, %dma_start3A_41] : memref<400x128xf32, #tpu.memory_space<vmem>> -> memref<80x128xf32, #tpu.memory_space<vmem>>
      %dma_start3A_43 = arith.constant 0 : i32
      %dma_start3A_44 = tpu.memref_slice %arg11[%dma_start3A_43] : memref<400xi32, #tpu.memory_space<vmem>> -> memref<80xi32, #tpu.memory_space<vmem>>
      %dma_start3A_45 = arith.constant 0 : i32
      %dma_start3A_46 = arith.constant 0 : i32
      %dma_start3A_47 = tpu.memref_slice %arg3[%dma_start3A_45, %dma_start3A_46] : memref<10000x128xf32, #tpu.memory_space<hbm>> -> memref<10000x128xf32, #tpu.memory_space<hbm>>
      tpu.enqueue_indirect_dma source(%dma_start3A_47 : memref<10000x128xf32, #tpu.memory_space<hbm>>) target(%dma_start3A_42 : memref<80x128xf32, #tpu.memory_space<vmem>>) offsets(%dma_start3A_44 : memref<80xi32, #tpu.memory_space<vmem>>) semaphore(%arg22 : memref<!tpu.dma_semaphore, #tpu.memory_space<semaphore_mem>>)
      %dma_start3A_48 = arith.constant 80 : i32
      %dma_start3A_49 = arith.constant 0 : i32
      %dma_start3A_50 = tpu.memref_slice %arg12[%dma_start3A_48, %dma_start3A_49] : memref<400x128xf32, #tpu.memory_space<vmem>> -> memref<80x128xf32, #tpu.memory_space<vmem>>
      %dma_start3A_51 = arith.constant 80 : i32
      %dma_start3A_52 = tpu.memref_slice %arg10[%dma_start3A_51] : memref<400xi32, #tpu.memory_space<vmem>> -> memref<80xi32, #tpu.memory_space<vmem>>
      %dma_start3A_53 = arith.constant 0 : i32
      %dma_start3A_54 = arith.constant 0 : i32
      %dma_start3A_55 = tpu.memref_slice %arg2[%dma_start3A_53, %dma_start3A_54] : memref<10000x128xf32, #tpu.memory_space<hbm>> -> memref<10000x128xf32, #tpu.memory_space<hbm>>
      tpu.enqueue_indirect_dma source(%dma_start3A_55 : memref<10000x128xf32, #tpu.memory_space<hbm>>) target(%dma_start3A_50 : memref<80x128xf32, #tpu.memory_space<vmem>>) offsets(%dma_start3A_52 : memref<80xi32, #tpu.memory_space<vmem>>) semaphore(%arg21 : memref<!tpu.dma_semaphore, #tpu.memory_space<semaphore_mem>>)
      %dma_start3A_56 = arith.constant 80 : i32
      %dma_start3A_57 = arith.constant 0 : i32
      %dma_start3A_58 = tpu.memref_slice %arg13[%dma_start3A_56, %dma_start3A_57] : memref<400x128xf32, #tpu.memory_space<vmem>> -> memref<80x128xf32, #tpu.memory_space<vmem>>
      %dma_start3A_59 = arith.constant 80 : i32
      %dma_start3A_60 = tpu.memref_slice %arg11[%dma_start3A_59] : memref<400xi32, #tpu.memory_space<vmem>> -> memref<80xi32, #tpu.memory_space<vmem>>
      %dma_start3A_61 = arith.constant 0 : i32
      %dma_start3A_62 = arith.constant 0 : i32
      %dma_start3A_63 = tpu.memref_slice %arg3[%dma_start3A_61, %dma_start3A_62] : memref<10000x128xf32, #tpu.memory_space<hbm>> -> memref<10000x128xf32, #tpu.memory_space<hbm>>
      tpu.enqueue_indirect_dma source(%dma_start3A_63 : memref<10000x128xf32, #tpu.memory_space<hbm>>) target(%dma_start3A_58 : memref<80x128xf32, #tpu.memory_space<vmem>>) offsets(%dma_start3A_60 : memref<80xi32, #tpu.memory_space<vmem>>) semaphore(%arg22 : memref<!tpu.dma_semaphore, #tpu.memory_space<semaphore_mem>>)
      %dma_start3A_64 = arith.constant 160 : i32
      %dma_start3A_65 = arith.constant 0 : i32
      %dma_start3A_66 = tpu.memref_slice %arg12[%dma_start3A_64, %dma_start3A_65] : memref<400x128xf32, #tpu.memory_space<vmem>> -> memref<80x128xf32, #tpu.memory_space<vmem>>
      %dma_start3A_67 = arith.constant 160 : i32
      %dma_start3A_68 = tpu.memref_slice %arg10[%dma_start3A_67] : memref<400xi32, #tpu.memory_space<vmem>> -> memref<80xi32, #tpu.memory_space<vmem>>
      %dma_start3A_69 = arith.constant 0 : i32
      %dma_start3A_70 = arith.constant 0 : i32
      %dma_start3A_71 = tpu.memref_slice %arg2[%dma_start3A_69, %dma_start3A_70] : memref<10000x128xf32, #tpu.memory_space<hbm>> -> memref<10000x128xf32, #tpu.memory_space<hbm>>
      tpu.enqueue_indirect_dma source(%dma_start3A_71 : memref<10000x128xf32, #tpu.memory_space<hbm>>) target(%dma_start3A_66 : memref<80x128xf32, #tpu.memory_space<vmem>>) offsets(%dma_start3A_68 : memref<80xi32, #tpu.memory_space<vmem>>) semaphore(%arg21 : memref<!tpu.dma_semaphore, #tpu.memory_space<semaphore_mem>>)
      %dma_start3A_72 = arith.constant 160 : i32
      %dma_start3A_73 = arith.constant 0 : i32
      %dma_start3A_74 = tpu.memref_slice %arg13[%dma_start3A_72, %dma_start3A_73] : memref<400x128xf32, #tpu.memory_space<vmem>> -> memref<80x128xf32, #tpu.memory_space<vmem>>
      %dma_start3A_75 = arith.constant 160 : i32
      %dma_start3A_76 = tpu.memref_slice %arg11[%dma_start3A_75] : memref<400xi32, #tpu.memory_space<vmem>> -> memref<80xi32, #tpu.memory_space<vmem>>
      %dma_start3A_77 = arith.constant 0 : i32
      %dma_start3A_78 = arith.constant 0 : i32
      %dma_start3A_79 = tpu.memref_slice %arg3[%dma_start3A_77, %dma_start3A_78] : memref<10000x128xf32, #tpu.memory_space<hbm>> -> memref<10000x128xf32, #tpu.memory_space<hbm>>
      tpu.enqueue_indirect_dma source(%dma_start3A_79 : memref<10000x128xf32, #tpu.memory_space<hbm>>) target(%dma_start3A_74 : memref<80x128xf32, #tpu.memory_space<vmem>>) offsets(%dma_start3A_76 : memref<80xi32, #tpu.memory_space<vmem>>) semaphore(%arg22 : memref<!tpu.dma_semaphore, #tpu.memory_space<semaphore_mem>>)
      %dma_start3A_80 = arith.constant 240 : i32
      %dma_start3A_81 = arith.constant 0 : i32
      %dma_start3A_82 = tpu.memref_slice %arg12[%dma_start3A_80, %dma_start3A_81] : memref<400x128xf32, #tpu.memory_space<vmem>> -> memref<80x128xf32, #tpu.memory_space<vmem>>
      %dma_start3A_83 = arith.constant 240 : i32
      %dma_start3A_84 = tpu.memref_slice %arg10[%dma_start3A_83] : memref<400xi32, #tpu.memory_space<vmem>> -> memref<80xi32, #tpu.memory_space<vmem>>
      %dma_start3A_85 = arith.constant 0 : i32
      %dma_start3A_86 = arith.constant 0 : i32
      %dma_start3A_87 = tpu.memref_slice %arg2[%dma_start3A_85, %dma_start3A_86] : memref<10000x128xf32, #tpu.memory_space<hbm>> -> memref<10000x128xf32, #tpu.memory_space<hbm>>
      tpu.enqueue_indirect_dma source(%dma_start3A_87 : memref<10000x128xf32, #tpu.memory_space<hbm>>) target(%dma_start3A_82 : memref<80x128xf32, #tpu.memory_space<vmem>>) offsets(%dma_start3A_84 : memref<80xi32, #tpu.memory_space<vmem>>) semaphore(%arg21 : memref<!tpu.dma_semaphore, #tpu.memory_space<semaphore_mem>>)
      %dma_start3A_88 = arith.constant 240 : i32
      %dma_start3A_89 = arith.constant 0 : i32
      %dma_start3A_90 = tpu.memref_slice %arg13[%dma_start3A_88, %dma_start3A_89] : memref<400x128xf32, #tpu.memory_space<vmem>> -> memref<80x128xf32, #tpu.memory_space<vmem>>
      %dma_start3A_91 = arith.constant 240 : i32
      %dma_start3A_92 = tpu.memref_slice %arg11[%dma_start3A_91] : memref<400xi32, #tpu.memory_space<vmem>> -> memref<80xi32, #tpu.memory_space<vmem>>
      %dma_start3A_93 = arith.constant 0 : i32
      %dma_start3A_94 = arith.constant 0 : i32
      %dma_start3A_95 = tpu.memref_slice %arg3[%dma_start3A_93, %dma_start3A_94] : memref<10000x128xf32, #tpu.memory_space<hbm>> -> memref<10000x128xf32, #tpu.memory_space<hbm>>
      tpu.enqueue_indirect_dma source(%dma_start3A_95 : memref<10000x128xf32, #tpu.memory_space<hbm>>) target(%dma_start3A_90 : memref<80x128xf32, #tpu.memory_space<vmem>>) offsets(%dma_start3A_92 : memref<80xi32, #tpu.memory_space<vmem>>) semaphore(%arg22 : memref<!tpu.dma_semaphore, #tpu.memory_space<semaphore_mem>>)
      %dma_start3A_96 = arith.constant 320 : i32
      %dma_start3A_97 = arith.constant 0 : i32
      %dma_start3A_98 = tpu.memref_slice %arg12[%dma_start3A_96, %dma_start3A_97] : memref<400x128xf32, #tpu.memory_space<vmem>> -> memref<80x128xf32, #tpu.memory_space<vmem>>
      %dma_start3A_99 = arith.constant 320 : i32
      %dma_start3A_100 = tpu.memref_slice %arg10[%dma_start3A_99] : memref<400xi32, #tpu.memory_space<vmem>> -> memref<80xi32, #tpu.memory_space<vmem>>
      %dma_start3A_101 = arith.constant 0 : i32
      %dma_start3A_102 = arith.constant 0 : i32
      %dma_start3A_103 = tpu.memref_slice %arg2[%dma_start3A_101, %dma_start3A_102] : memref<10000x128xf32, #tpu.memory_space<hbm>> -> memref<10000x128xf32, #tpu.memory_space<hbm>>
      tpu.enqueue_indirect_dma source(%dma_start3A_103 : memref<10000x128xf32, #tpu.memory_space<hbm>>) target(%dma_start3A_98 : memref<80x128xf32, #tpu.memory_space<vmem>>) offsets(%dma_start3A_100 : memref<80xi32, #tpu.memory_space<vmem>>) semaphore(%arg21 : memref<!tpu.dma_semaphore, #tpu.memory_space<semaphore_mem>>)
      %dma_start3A_104 = arith.constant 320 : i32
      %dma_start3A_105 = arith.constant 0 : i32
      %dma_start3A_106 = tpu.memref_slice %arg13[%dma_start3A_104, %dma_start3A_105] : memref<400x128xf32, #tpu.memory_space<vmem>> -> memref<80x128xf32, #tpu.memory_space<vmem>>
      %dma_start3A_107 = arith.constant 320 : i32
      %dma_start3A_108 = tpu.memref_slice %arg11[%dma_start3A_107] : memref<400xi32, #tpu.memory_space<vmem>> -> memref<80xi32, #tpu.memory_space<vmem>>
      %dma_start3A_109 = arith.constant 0 : i32
      %dma_start3A_110 = arith.constant 0 : i32
      %dma_start3A_111 = tpu.memref_slice %arg3[%dma_start3A_109, %dma_start3A_110] : memref<10000x128xf32, #tpu.memory_space<hbm>> -> memref<10000x128xf32, #tpu.memory_space<hbm>>
      tpu.enqueue_indirect_dma source(%dma_start3A_111 : memref<10000x128xf32, #tpu.memory_space<hbm>>) target(%dma_start3A_106 : memref<80x128xf32, #tpu.memory_space<vmem>>) offsets(%dma_start3A_108 : memref<80xi32, #tpu.memory_space<vmem>>) semaphore(%arg22 : memref<!tpu.dma_semaphore, #tpu.memory_space<semaphore_mem>>)
      %dma_wait3A = arith.constant 0 : i32
      %dma_wait3A_112 = arith.constant 0 : i32
      %dma_wait3A_113 = tpu.memref_slice %arg12[%dma_wait3A, %dma_wait3A_112] : memref<400x128xf32, #tpu.memory_space<vmem>> -> memref<80x128xf32, #tpu.memory_space<vmem>>
      %dma_wait3A_114 = arith.constant 0 : i32
      %dma_wait3A_115 = tpu.memref_slice %arg10[%dma_wait3A_114] : memref<400xi32, #tpu.memory_space<vmem>> -> memref<80xi32, #tpu.memory_space<vmem>>
      %dma_wait3A_116 = arith.constant 0 : i32
      %dma_wait3A_117 = arith.constant 0 : i32
      %dma_wait3A_118 = tpu.memref_slice %arg2[%dma_wait3A_116, %dma_wait3A_117] : memref<10000x128xf32, #tpu.memory_space<hbm>> -> memref<10000x128xf32, #tpu.memory_space<hbm>>
      tpu.wait_indirect_dma semaphore(%arg21 : memref<!tpu.dma_semaphore, #tpu.memory_space<semaphore_mem>>) src(%dma_wait3A_118 : memref<10000x128xf32, #tpu.memory_space<hbm>>) dst(%dma_wait3A_113 : memref<80x128xf32, #tpu.memory_space<vmem>>)
      %dma_wait3A_119 = arith.constant 0 : i32
      %dma_wait3A_120 = arith.constant 0 : i32
      %dma_wait3A_121 = tpu.memref_slice %arg13[%dma_wait3A_119, %dma_wait3A_120] : memref<400x128xf32, #tpu.memory_space<vmem>> -> memref<80x128xf32, #tpu.memory_space<vmem>>
      %dma_wait3A_122 = arith.constant 0 : i32
      %dma_wait3A_123 = tpu.memref_slice %arg11[%dma_wait3A_122] : memref<400xi32, #tpu.memory_space<vmem>> -> memref<80xi32, #tpu.memory_space<vmem>>
      %dma_wait3A_124 = arith.constant 0 : i32
      %dma_wait3A_125 = arith.constant 0 : i32
      %dma_wait3A_126 = tpu.memref_slice %arg3[%dma_wait3A_124, %dma_wait3A_125] : memref<10000x128xf32, #tpu.memory_space<hbm>> -> memref<10000x128xf32, #tpu.memory_space<hbm>>
      tpu.wait_indirect_dma semaphore(%arg22 : memref<!tpu.dma_semaphore, #tpu.memory_space<semaphore_mem>>) src(%dma_wait3A_126 : memref<10000x128xf32, #tpu.memory_space<hbm>>) dst(%dma_wait3A_121 : memref<80x128xf32, #tpu.memory_space<vmem>>)
      %dma_wait3A_127 = arith.constant 80 : i32
      %dma_wait3A_128 = arith.constant 0 : i32
      %dma_wait3A_129 = tpu.memref_slice %arg12[%dma_wait3A_127, %dma_wait3A_128] : memref<400x128xf32, #tpu.memory_space<vmem>> -> memref<80x128xf32, #tpu.memory_space<vmem>>
      %dma_wait3A_130 = arith.constant 80 : i32
      %dma_wait3A_131 = tpu.memref_slice %arg10[%dma_wait3A_130] : memref<400xi32, #tpu.memory_space<vmem>> -> memref<80xi32, #tpu.memory_space<vmem>>
      %dma_wait3A_132 = arith.constant 0 : i32
      %dma_wait3A_133 = arith.constant 0 : i32
      %dma_wait3A_134 = tpu.memref_slice %arg2[%dma_wait3A_132, %dma_wait3A_133] : memref<10000x128xf32, #tpu.memory_space<hbm>> -> memref<10000x128xf32, #tpu.memory_space<hbm>>
      tpu.wait_indirect_dma semaphore(%arg21 : memref<!tpu.dma_semaphore, #tpu.memory_space<semaphore_mem>>) src(%dma_wait3A_134 : memref<10000x128xf32, #tpu.memory_space<hbm>>) dst(%dma_wait3A_129 : memref<80x128xf32, #tpu.memory_space<vmem>>)
      %dma_wait3A_135 = arith.constant 80 : i32
      %dma_wait3A_136 = arith.constant 0 : i32
      %dma_wait3A_137 = tpu.memref_slice %arg13[%dma_wait3A_135, %dma_wait3A_136] : memref<400x128xf32, #tpu.memory_space<vmem>> -> memref<80x128xf32, #tpu.memory_space<vmem>>
      %dma_wait3A_138 = arith.constant 80 : i32
      %dma_wait3A_139 = tpu.memref_slice %arg11[%dma_wait3A_138] : memref<400xi32, #tpu.memory_space<vmem>> -> memref<80xi32, #tpu.memory_space<vmem>>
      %dma_wait3A_140 = arith.constant 0 : i32
      %dma_wait3A_141 = arith.constant 0 : i32
      %dma_wait3A_142 = tpu.memref_slice %arg3[%dma_wait3A_140, %dma_wait3A_141] : memref<10000x128xf32, #tpu.memory_space<hbm>> -> memref<10000x128xf32, #tpu.memory_space<hbm>>
      tpu.wait_indirect_dma semaphore(%arg22 : memref<!tpu.dma_semaphore, #tpu.memory_space<semaphore_mem>>) src(%dma_wait3A_142 : memref<10000x128xf32, #tpu.memory_space<hbm>>) dst(%dma_wait3A_137 : memref<80x128xf32, #tpu.memory_space<vmem>>)
      %dma_wait3A_143 = arith.constant 160 : i32
      %dma_wait3A_144 = arith.constant 0 : i32
      %dma_wait3A_145 = tpu.memref_slice %arg12[%dma_wait3A_143, %dma_wait3A_144] : memref<400x128xf32, #tpu.memory_space<vmem>> -> memref<80x128xf32, #tpu.memory_space<vmem>>
      %dma_wait3A_146 = arith.constant 160 : i32
      %dma_wait3A_147 = tpu.memref_slice %arg10[%dma_wait3A_146] : memref<400xi32, #tpu.memory_space<vmem>> -> memref<80xi32, #tpu.memory_space<vmem>>
      %dma_wait3A_148 = arith.constant 0 : i32
      %dma_wait3A_149 = arith.constant 0 : i32
      %dma_wait3A_150 = tpu.memref_slice %arg2[%dma_wait3A_148, %dma_wait3A_149] : memref<10000x128xf32, #tpu.memory_space<hbm>> -> memref<10000x128xf32, #tpu.memory_space<hbm>>
      tpu.wait_indirect_dma semaphore(%arg21 : memref<!tpu.dma_semaphore, #tpu.memory_space<semaphore_mem>>) src(%dma_wait3A_150 : memref<10000x128xf32, #tpu.memory_space<hbm>>) dst(%dma_wait3A_145 : memref<80x128xf32, #tpu.memory_space<vmem>>)
      %dma_wait3A_151 = arith.constant 160 : i32
      %dma_wait3A_152 = arith.constant 0 : i32
      %dma_wait3A_153 = tpu.memref_slice %arg13[%dma_wait3A_151, %dma_wait3A_152] : memref<400x128xf32, #tpu.memory_space<vmem>> -> memref<80x128xf32, #tpu.memory_space<vmem>>
      %dma_wait3A_154 = arith.constant 160 : i32
      %dma_wait3A_155 = tpu.memref_slice %arg11[%dma_wait3A_154] : memref<400xi32, #tpu.memory_space<vmem>> -> memref<80xi32, #tpu.memory_space<vmem>>
      %dma_wait3A_156 = arith.constant 0 : i32
      %dma_wait3A_157 = arith.constant 0 : i32
      %dma_wait3A_158 = tpu.memref_slice %arg3[%dma_wait3A_156, %dma_wait3A_157] : memref<10000x128xf32, #tpu.memory_space<hbm>> -> memref<10000x128xf32, #tpu.memory_space<hbm>>
      tpu.wait_indirect_dma semaphore(%arg22 : memref<!tpu.dma_semaphore, #tpu.memory_space<semaphore_mem>>) src(%dma_wait3A_158 : memref<10000x128xf32, #tpu.memory_space<hbm>>) dst(%dma_wait3A_153 : memref<80x128xf32, #tpu.memory_space<vmem>>)
      %dma_wait3A_159 = arith.constant 240 : i32
      %dma_wait3A_160 = arith.constant 0 : i32
      %dma_wait3A_161 = tpu.memref_slice %arg12[%dma_wait3A_159, %dma_wait3A_160] : memref<400x128xf32, #tpu.memory_space<vmem>> -> memref<80x128xf32, #tpu.memory_space<vmem>>
      %dma_wait3A_162 = arith.constant 240 : i32
      %dma_wait3A_163 = tpu.memref_slice %arg10[%dma_wait3A_162] : memref<400xi32, #tpu.memory_space<vmem>> -> memref<80xi32, #tpu.memory_space<vmem>>
      %dma_wait3A_164 = arith.constant 0 : i32
      %dma_wait3A_165 = arith.constant 0 : i32
      %dma_wait3A_166 = tpu.memref_slice %arg2[%dma_wait3A_164, %dma_wait3A_165] : memref<10000x128xf32, #tpu.memory_space<hbm>> -> memref<10000x128xf32, #tpu.memory_space<hbm>>
      tpu.wait_indirect_dma semaphore(%arg21 : memref<!tpu.dma_semaphore, #tpu.memory_space<semaphore_mem>>) src(%dma_wait3A_166 : memref<10000x128xf32, #tpu.memory_space<hbm>>) dst(%dma_wait3A_161 : memref<80x128xf32, #tpu.memory_space<vmem>>)
      %dma_wait3A_167 = arith.constant 240 : i32
      %dma_wait3A_168 = arith.constant 0 : i32
      %dma_wait3A_169 = tpu.memref_slice %arg13[%dma_wait3A_167, %dma_wait3A_168] : memref<400x128xf32, #tpu.memory_space<vmem>> -> memref<80x128xf32, #tpu.memory_space<vmem>>
      %dma_wait3A_170 = arith.constant 240 : i32
      %dma_wait3A_171 = tpu.memref_slice %arg11[%dma_wait3A_170] : memref<400xi32, #tpu.memory_space<vmem>> -> memref<80xi32, #tpu.memory_space<vmem>>
      %dma_wait3A_172 = arith.constant 0 : i32
      %dma_wait3A_173 = arith.constant 0 : i32
      %dma_wait3A_174 = tpu.memref_slice %arg3[%dma_wait3A_172, %dma_wait3A_173] : memref<10000x128xf32, #tpu.memory_space<hbm>> -> memref<10000x128xf32, #tpu.memory_space<hbm>>
      tpu.wait_indirect_dma semaphore(%arg22 : memref<!tpu.dma_semaphore, #tpu.memory_space<semaphore_mem>>) src(%dma_wait3A_174 : memref<10000x128xf32, #tpu.memory_space<hbm>>) dst(%dma_wait3A_169 : memref<80x128xf32, #tpu.memory_space<vmem>>)
      %dma_wait3A_175 = arith.constant 320 : i32
      %dma_wait3A_176 = arith.constant 0 : i32
      %dma_wait3A_177 = tpu.memref_slice %arg12[%dma_wait3A_175, %dma_wait3A_176] : memref<400x128xf32, #tpu.memory_space<vmem>> -> memref<80x128xf32, #tpu.memory_space<vmem>>
      %dma_wait3A_178 = arith.constant 320 : i32
      %dma_wait3A_179 = tpu.memref_slice %arg10[%dma_wait3A_178] : memref<400xi32, #tpu.memory_space<vmem>> -> memref<80xi32, #tpu.memory_space<vmem>>
      %dma_wait3A_180 = arith.constant 0 : i32
      %dma_wait3A_181 = arith.constant 0 : i32
      %dma_wait3A_182 = tpu.memref_slice %arg2[%dma_wait3A_180, %dma_wait3A_181] : memref<10000x128xf32, #tpu.memory_space<hbm>> -> memref<10000x128xf32, #tpu.memory_space<hbm>>
      tpu.wait_indirect_dma semaphore(%arg21 : memref<!tpu.dma_semaphore, #tpu.memory_space<semaphore_mem>>) src(%dma_wait3A_182 : memref<10000x128xf32, #tpu.memory_space<hbm>>) dst(%dma_wait3A_177 : memref<80x128xf32, #tpu.memory_space<vmem>>)
      %dma_wait3A_183 = arith.constant 320 : i32
      %dma_wait3A_184 = arith.constant 0 : i32
      %dma_wait3A_185 = tpu.memref_slice %arg13[%dma_wait3A_183, %dma_wait3A_184] : memref<400x128xf32, #tpu.memory_space<vmem>> -> memref<80x128xf32, #tpu.memory_space<vmem>>
      %dma_wait3A_186 = arith.constant 320 : i32
      %dma_wait3A_187 = tpu.memref_slice %arg11[%dma_wait3A_186] : memref<400xi32, #tpu.memory_space<vmem>> -> memref<80xi32, #tpu.memory_space<vmem>>
      %dma_wait3A_188 = arith.constant 0 : i32
      %dma_wait3A_189 = arith.constant 0 : i32
      %dma_wait3A_190 = tpu.memref_slice %arg3[%dma_wait3A_188, %dma_wait3A_189] : memref<10000x128xf32, #tpu.memory_space<hbm>> -> memref<10000x128xf32, #tpu.memory_space<hbm>>
      tpu.wait_indirect_dma semaphore(%arg22 : memref<!tpu.dma_semaphore, #tpu.memory_space<semaphore_mem>>) src(%dma_wait3A_190 : memref<10000x128xf32, #tpu.memory_space<hbm>>) dst(%dma_wait3A_185 : memref<80x128xf32, #tpu.memory_space<vmem>>)
      %scan3A_191 = arith.constant 0 : i32
      %scan3A_192 = arith.constant 0 : i32
      %scan3A_193 = arith.constant 25 : i32
      %scan3A_194 = arith.addi %scan3A_192, %scan3A_193 : i32
      %scan3A_195 = arith.constant 1 : i32
      scf.for %scan3A_200 = %scan3A_192 to %scan3A_194 step %scan3A_195  : i32 {
        %mul3A_201 = arith.constant 16 : i32
        %mul3A_202 = arith.muli %scan3A_200, %mul3A_201 : i32
        %add3A_203 = vector.broadcast %mul3A_202 : i32 to vector<16xi32>
        %add3A_204 = arith.addi %add3A_203, %iota3A : vector<16xi32>
        %get3A = arith.constant 0 : i32
        %get3A_205 = arith.index_cast %get3A : i32 to index
        %get3A_206 = arith.constant 0 : index
        %get3A_207 = tpu.vector_load %arg12[%get3A_205, %get3A_206] {strides = array<i32>} : memref<400x128xf32, #tpu.memory_space<vmem>>, vector<16xf32>,
        %mul3A_208 = arith.constant 1.000000e-03 : f32
        %mul3A_209 = vector.broadcast %mul3A_208 : f32 to vector<16xf32>
        %mul3A_210 = arith.mulf %get3A_207, %mul3A_209 : vector<16xf32>
        %mul3A_211 = arith.constant 16 : i32
        %mul3A_212 = arith.muli %scan3A_200, %mul3A_211 : i32
        %swap3A = arith.constant 0 : i32
        %swap3A_213 = arith.index_cast %swap3A : i32 to index
        %swap3A_214 = arith.index_cast %mul3A_212 : i32 to index
        %swap3A_215 = tpu.vector_load %arg14[%swap3A_213, %swap3A_214] {strides = array<i32>} : memref<4x400xf32, #tpu.memory_space<vmem>>, vector<16xf32>,
        tpu.vector_store %arg14[%swap3A_213, %swap3A_214], %mul3A_210 {strides = array<i32>} : memref<4x400xf32, #tpu.memory_space<vmem>>, vector<16xf32>,
        %mul3A_216 = arith.constant 16 : i32
        %mul3A_217 = arith.muli %scan3A_200, %mul3A_216 : i32
        %swap3A_218 = arith.constant 0 : i32
        %swap3A_219 = arith.index_cast %swap3A_218 : i32 to index
        %swap3A_220 = arith.index_cast %mul3A_217 : i32 to index
        %swap3A_221 = tpu.vector_load %arg15[%swap3A_219, %swap3A_220] {strides = array<i32>} : memref<4x400xf32, #tpu.memory_space<vmem>>, vector<16xf32>,
        tpu.vector_store %arg15[%swap3A_219, %swap3A_220], %mul3A_210 {strides = array<i32>} : memref<4x400xf32, #tpu.memory_space<vmem>>, vector<16xf32>,
        %get3A_222 = arith.constant 0 : i32
        %get3A_223 = arith.index_cast %get3A_222 : i32 to index
        %get3A_224 = arith.constant 16 : index
        %get3A_225 = tpu.vector_load %arg12[%get3A_223, %get3A_224] {strides = array<i32>} : memref<400x128xf32, #tpu.memory_space<vmem>>, vector<16xf32>,
        %mul3A_226 = arith.constant 1.000000e-03 : f32
        %mul3A_227 = vector.broadcast %mul3A_226 : f32 to vector<16xf32>
        %mul3A_228 = arith.mulf %get3A_225, %mul3A_227 : vector<16xf32>
        %mul3A_229 = arith.constant 16 : i32
        %mul3A_230 = arith.muli %scan3A_200, %mul3A_229 : i32
        %swap3A_231 = arith.constant 1 : i32
        %swap3A_232 = arith.index_cast %swap3A_231 : i32 to index
        %swap3A_233 = arith.index_cast %mul3A_230 : i32 to index
        %swap3A_234 = tpu.vector_load %arg14[%swap3A_232, %swap3A_233] {strides = array<i32>} : memref<4x400xf32, #tpu.memory_space<vmem>>, vector<16xf32>,
        tpu.vector_store %arg14[%swap3A_232, %swap3A_233], %mul3A_228 {strides = array<i32>} : memref<4x400xf32, #tpu.memory_space<vmem>>, vector<16xf32>,
        %mul3A_235 = arith.constant 16 : i32
        %mul3A_236 = arith.muli %scan3A_200, %mul3A_235 : i32
        %swap3A_237 = arith.constant 1 : i32
        %swap3A_238 = arith.index_cast %swap3A_237 : i32 to index
        %swap3A_239 = arith.index_cast %mul3A_236 : i32 to index
        %swap3A_240 = tpu.vector_load %arg15[%swap3A_238, %swap3A_239] {strides = array<i32>} : memref<4x400xf32, #tpu.memory_space<vmem>>, vector<16xf32>,
        tpu.vector_store %arg15[%swap3A_238, %swap3A_239], %mul3A_228 {strides = array<i32>} : memref<4x400xf32, #tpu.memory_space<vmem>>, vector<16xf32>,
        %get3A_241 = arith.constant 0 : i32
        %get3A_242 = arith.index_cast %get3A_241 : i32 to index
        %get3A_243 = arith.constant 32 : index
        %get3A_244 = tpu.vector_load %arg12[%get3A_242, %get3A_243] {strides = array<i32>} : memref<400x128xf32, #tpu.memory_space<vmem>>, vector<16xf32>,
        %mul3A_245 = arith.constant 1.000000e-03 : f32
        %mul3A_246 = vector.broadcast %mul3A_245 : f32 to vector<16xf32>
        %mul3A_247 = arith.mulf %get3A_244, %mul3A_246 : vector<16xf32>
        %mul3A_248 = arith.constant 16 : i32
        %mul3A_249 = arith.muli %scan3A_200, %mul3A_248 : i32
        %swap3A_250 = arith.constant 2 : i32
        %swap3A_251 = arith.index_cast %swap3A_250 : i32 to index
        %swap3A_252 = arith.index_cast %mul3A_249 : i32 to index
        %swap3A_253 = tpu.vector_load %arg14[%swap3A_251, %swap3A_252] {strides = array<i32>} : memref<4x400xf32, #tpu.memory_space<vmem>>, vector<16xf32>,
        tpu.vector_store %arg14[%swap3A_251, %swap3A_252], %mul3A_247 {strides = array<i32>} : memref<4x400xf32, #tpu.memory_space<vmem>>, vector<16xf32>,
        %mul3A_254 = arith.constant 16 : i32
        %mul3A_255 = arith.muli %scan3A_200, %mul3A_254 : i32
        %swap3A_256 = arith.constant 2 : i32
        %swap3A_257 = arith.index_cast %swap3A_256 : i32 to index
        %swap3A_258 = arith.index_cast %mul3A_255 : i32 to index
        %swap3A_259 = tpu.vector_load %arg15[%swap3A_257, %swap3A_258] {strides = array<i32>} : memref<4x400xf32, #tpu.memory_space<vmem>>, vector<16xf32>,
        tpu.vector_store %arg15[%swap3A_257, %swap3A_258], %mul3A_247 {strides = array<i32>} : memref<4x400xf32, #tpu.memory_space<vmem>>, vector<16xf32>,
        %get3A_260 = arith.constant 0 : i32
        %get3A_261 = arith.index_cast %get3A_260 : i32 to index
        %get3A_262 = arith.constant 48 : index
        %get3A_263 = tpu.vector_load %arg12[%get3A_261, %get3A_262] {strides = array<i32>} : memref<400x128xf32, #tpu.memory_space<vmem>>, vector<16xf32>,
        %mul3A_264 = arith.constant 1.000000e-03 : f32
        %mul3A_265 = vector.broadcast %mul3A_264 : f32 to vector<16xf32>
        %mul3A_266 = arith.mulf %get3A_263, %mul3A_265 : vector<16xf32>
        %mul3A_267 = arith.constant 16 : i32
        %mul3A_268 = arith.muli %scan3A_200, %mul3A_267 : i32
        %swap3A_269 = arith.constant 3 : i32
        %swap3A_270 = arith.index_cast %swap3A_269 : i32 to index
        %swap3A_271 = arith.index_cast %mul3A_268 : i32 to index
        %swap3A_272 = tpu.vector_load %arg14[%swap3A_270, %swap3A_271] {strides = array<i32>} : memref<4x400xf32, #tpu.memory_space<vmem>>, vector<16xf32>,
        tpu.vector_store %arg14[%swap3A_270, %swap3A_271], %mul3A_266 {strides = array<i32>} : memref<4x400xf32, #tpu.memory_space<vmem>>, vector<16xf32>,
        %mul3A_273 = arith.constant 16 : i32
        %mul3A_274 = arith.muli %scan3A_200, %mul3A_273 : i32
        %swap3A_275 = arith.constant 3 : i32
        %swap3A_276 = arith.index_cast %swap3A_275 : i32 to index
        %swap3A_277 = arith.index_cast %mul3A_274 : i32 to index
        %swap3A_278 = tpu.vector_load %arg15[%swap3A_276, %swap3A_277] {strides = array<i32>} : memref<4x400xf32, #tpu.memory_space<vmem>>, vector<16xf32>,
        tpu.vector_store %arg15[%swap3A_276, %swap3A_277], %mul3A_266 {strides = array<i32>} : memref<4x400xf32, #tpu.memory_space<vmem>>, vector<16xf32>,
      }
      %scan3A_196 = arith.constant 25 : i32
      "tpu.region"() ({
        %run_scoped3A_200 = tpu.sem_alloc : memref<!tpu.dma_semaphore, #tpu.memory_space<semaphore_mem>>
        %dma_start3A_201 = arith.constant 0 : i32
        %dma_start3A_202 = arith.constant 0 : i32
        %dma_start3A_203 = tpu.memref_slice %arg6[%add3A_32, %dma_start3A_201, %dma_start3A_202] : memref<800x4x400xf32, #tpu.memory_space<hbm>> -> memref<1x4x400xf32, #tpu.memory_space<hbm>>
        %dma_start3A_204 = tpu.memref_squeeze %dma_start3A_203 : memref<1x4x400xf32, #tpu.memory_space<hbm>> -> memref<4x400xf32, #tpu.memory_space<hbm>>
        %dma_start3A_205 = arith.constant 0 : i32
        %dma_start3A_206 = arith.constant 0 : i32
        %dma_start3A_207 = tpu.memref_slice %arg6[%add3A_32, %dma_start3A_205, %dma_start3A_206] : memref<800x4x400xf32, #tpu.memory_space<hbm>> -> memref<1x4x400xf32, #tpu.memory_space<hbm>>
        %dma_start3A_208 = tpu.memref_squeeze %dma_start3A_207 : memref<1x4x400xf32, #tpu.memory_space<hbm>> -> memref<4x400xf32, #tpu.memory_space<hbm>>
        tpu.enqueue_dma source(%arg14 : memref<4x400xf32, #tpu.memory_space<vmem>>) target(%dma_start3A_208 : memref<4x400xf32, #tpu.memory_space<hbm>>) target_semaphore(%run_scoped3A_200 : memref<!tpu.dma_semaphore, #tpu.memory_space<semaphore_mem>>)
        %dma_wait3A_209 = arith.constant 0 : i32
        %dma_wait3A_210 = arith.constant 0 : i32
        %dma_wait3A_211 = tpu.memref_slice %arg6[%add3A_32, %dma_wait3A_209, %dma_wait3A_210] : memref<800x4x400xf32, #tpu.memory_space<hbm>> -> memref<1x4x400xf32, #tpu.memory_space<hbm>>
        %dma_wait3A_212 = tpu.memref_squeeze %dma_wait3A_211 : memref<1x4x400xf32, #tpu.memory_space<hbm>> -> memref<4x400xf32, #tpu.memory_space<hbm>>
        %dma_wait3A_213 = arith.constant 0 : i32
        %dma_wait3A_214 = arith.constant 0 : i32
        %dma_wait3A_215 = tpu.memref_slice %arg6[%add3A_32, %dma_wait3A_213, %dma_wait3A_214] : memref<800x4x400xf32, #tpu.memory_space<hbm>> -> memref<1x4x400xf32, #tpu.memory_space<hbm>>
        %dma_wait3A_216 = tpu.memref_squeeze %dma_wait3A_215 : memref<1x4x400xf32, #tpu.memory_space<hbm>> -> memref<4x400xf32, #tpu.memory_space<hbm>>
        tpu.wait_dma2 semaphore(%run_scoped3A_200 : memref<!tpu.dma_semaphore, #tpu.memory_space<semaphore_mem>>) src(%arg14 : memref<4x400xf32, #tpu.memory_space<vmem>>) dst(%dma_wait3A_216 : memref<4x400xf32, #tpu.memory_space<hbm>>)
        tpu.yield
      }) : () -> ()
      "tpu.region"() ({
        %run_scoped3A_200 = tpu.sem_alloc : memref<!tpu.dma_semaphore, #tpu.memory_space<semaphore_mem>>
        %dma_start3A_201 = arith.constant 0 : i32
        %dma_start3A_202 = arith.constant 0 : i32
        %dma_start3A_203 = tpu.memref_slice %arg7[%add3A_32, %dma_start3A_201, %dma_start3A_202] : memref<800x4x400xf32, #tpu.memory_space<hbm>> -> memref<1x4x400xf32, #tpu.memory_space<hbm>>
        %dma_start3A_204 = tpu.memref_squeeze %dma_start3A_203 : memref<1x4x400xf32, #tpu.memory_space<hbm>> -> memref<4x400xf32, #tpu.memory_space<hbm>>
        %dma_start3A_205 = arith.constant 0 : i32
        %dma_start3A_206 = arith.constant 0 : i32
        %dma_start3A_207 = tpu.memref_slice %arg7[%add3A_32, %dma_start3A_205, %dma_start3A_206] : memref<800x4x400xf32, #tpu.memory_space<hbm>> -> memref<1x4x400xf32, #tpu.memory_space<hbm>>
        %dma_start3A_208 = tpu.memref_squeeze %dma_start3A_207 : memref<1x4x400xf32, #tpu.memory_space<hbm>> -> memref<4x400xf32, #tpu.memory_space<hbm>>
        tpu.enqueue_dma source(%arg15 : memref<4x400xf32, #tpu.memory_space<vmem>>) target(%dma_start3A_208 : memref<4x400xf32, #tpu.memory_space<hbm>>) target_semaphore(%run_scoped3A_200 : memref<!tpu.dma_semaphore, #tpu.memory_space<semaphore_mem>>)
        %dma_wait3A_209 = arith.constant 0 : i32
        %dma_wait3A_210 = arith.constant 0 : i32
        %dma_wait3A_211 = tpu.memref_slice %arg7[%add3A_32, %dma_wait3A_209, %dma_wait3A_210] : memref<800x4x400xf32, #tpu.memory_space<hbm>> -> memref<1x4x400xf32, #tpu.memory_space<hbm>>
        %dma_wait3A_212 = tpu.memref_squeeze %dma_wait3A_211 : memref<1x4x400xf32, #tpu.memory_space<hbm>> -> memref<4x400xf32, #tpu.memory_space<hbm>>
        %dma_wait3A_213 = arith.constant 0 : i32
        %dma_wait3A_214 = arith.constant 0 : i32
        %dma_wait3A_215 = tpu.memref_slice %arg7[%add3A_32, %dma_wait3A_213, %dma_wait3A_214] : memref<800x4x400xf32, #tpu.memory_space<hbm>> -> memref<1x4x400xf32, #tpu.memory_space<hbm>>
        %dma_wait3A_216 = tpu.memref_squeeze %dma_wait3A_215 : memref<1x4x400xf32, #tpu.memory_space<hbm>> -> memref<4x400xf32, #tpu.memory_space<hbm>>
        tpu.wait_dma2 semaphore(%run_scoped3A_200 : memref<!tpu.dma_semaphore, #tpu.memory_space<semaphore_mem>>) src(%arg15 : memref<4x400xf32, #tpu.memory_space<vmem>>) dst(%dma_wait3A_216 : memref<4x400xf32, #tpu.memory_space<hbm>>)
        tpu.yield
      }) : () -> ()
      %run_scoped3A = arith.constant 0 : i32
      "tpu.region"() ({
        %run_scoped3A_200 = tpu.sem_alloc : memref<!tpu.dma_semaphore, #tpu.memory_space<semaphore_mem>>
        %dma_start3A_201 = arith.constant 0 : i32
        %dma_start3A_202 = tpu.memref_slice %arg15[%run_scoped3A, %dma_start3A_201] : memref<4x400xf32, #tpu.memory_space<vmem>> -> memref<1x400xf32, #tpu.memory_space<vmem>>
        %dma_start3A_203 = tpu.memref_squeeze %dma_start3A_202 : memref<1x400xf32, #tpu.memory_space<vmem>> -> memref<400xf32, #tpu.memory_space<vmem>>
        %dma_start3A_204 = arith.constant 0 : i32
        %dma_start3A_205 = tpu.memref_slice %arg16[%dma_start3A_204] : memref<10000xf32, #tpu.memory_space<vmem_shared>> -> memref<10000xf32, #tpu.memory_space<vmem_shared>>
        tpu.enqueue_indirect_dma source(%dma_start3A_203 : memref<400xf32, #tpu.memory_space<vmem>>) target(%dma_start3A_205 : memref<10000xf32, #tpu.memory_space<vmem_shared>>) offsets(%arg10 : memref<400xi32, #tpu.memory_space<vmem>>) semaphore(%run_scoped3A_200 : memref<!tpu.dma_semaphore, #tpu.memory_space<semaphore_mem>>) {add = true}
        %dma_wait3A_206 = arith.constant 0 : i32
        %dma_wait3A_207 = tpu.memref_slice %arg15[%run_scoped3A, %dma_wait3A_206] : memref<4x400xf32, #tpu.memory_space<vmem>> -> memref<1x400xf32, #tpu.memory_space<vmem>>
        %dma_wait3A_208 = tpu.memref_squeeze %dma_wait3A_207 : memref<1x400xf32, #tpu.memory_space<vmem>> -> memref<400xf32, #tpu.memory_space<vmem>>
        %dma_wait3A_209 = arith.constant 0 : i32
        %dma_wait3A_210 = tpu.memref_slice %arg16[%dma_wait3A_209] : memref<10000xf32, #tpu.memory_space<vmem_shared>> -> memref<10000xf32, #tpu.memory_space<vmem_shared>>
        tpu.wait_indirect_dma semaphore(%run_scoped3A_200 : memref<!tpu.dma_semaphore, #tpu.memory_space<semaphore_mem>>) src(%dma_wait3A_208 : memref<400xf32, #tpu.memory_space<vmem>>) dst(%dma_wait3A_210 : memref<10000xf32, #tpu.memory_space<vmem_shared>>)
        tpu.yield
      }) : () -> ()
      %run_scoped3A_197 = arith.constant 1 : i32
      "tpu.region"() ({
        %run_scoped3A_200 = tpu.sem_alloc : memref<!tpu.dma_semaphore, #tpu.memory_space<semaphore_mem>>
        %dma_start3A_201 = arith.constant 0 : i32
        %dma_start3A_202 = tpu.memref_slice %arg15[%run_scoped3A_197, %dma_start3A_201] : memref<4x400xf32, #tpu.memory_space<vmem>> -> memref<1x400xf32, #tpu.memory_space<vmem>>
        %dma_start3A_203 = tpu.memref_squeeze %dma_start3A_202 : memref<1x400xf32, #tpu.memory_space<vmem>> -> memref<400xf32, #tpu.memory_space<vmem>>
        %dma_start3A_204 = arith.constant 0 : i32
        %dma_start3A_205 = tpu.memref_slice %arg17[%dma_start3A_204] : memref<10000xf32, #tpu.memory_space<vmem_shared>> -> memref<10000xf32, #tpu.memory_space<vmem_shared>>
        tpu.enqueue_indirect_dma source(%dma_start3A_203 : memref<400xf32, #tpu.memory_space<vmem>>) target(%dma_start3A_205 : memref<10000xf32, #tpu.memory_space<vmem_shared>>) offsets(%arg10 : memref<400xi32, #tpu.memory_space<vmem>>) semaphore(%run_scoped3A_200 : memref<!tpu.dma_semaphore, #tpu.memory_space<semaphore_mem>>) {add = true}
        %dma_wait3A_206 = arith.constant 0 : i32
        %dma_wait3A_207 = tpu.memref_slice %arg15[%run_scoped3A_197, %dma_wait3A_206] : memref<4x400xf32, #tpu.memory_space<vmem>> -> memref<1x400xf32, #tpu.memory_space<vmem>>
        %dma_wait3A_208 = tpu.memref_squeeze %dma_wait3A_207 : memref<1x400xf32, #tpu.memory_space<vmem>> -> memref<400xf32, #tpu.memory_space<vmem>>
        %dma_wait3A_209 = arith.constant 0 : i32
        %dma_wait3A_210 = tpu.memref_slice %arg17[%dma_wait3A_209] : memref<10000xf32, #tpu.memory_space<vmem_shared>> -> memref<10000xf32, #tpu.memory_space<vmem_shared>>
        tpu.wait_indirect_dma semaphore(%run_scoped3A_200 : memref<!tpu.dma_semaphore, #tpu.memory_space<semaphore_mem>>) src(%dma_wait3A_208 : memref<400xf32, #tpu.memory_space<vmem>>) dst(%dma_wait3A_210 : memref<10000xf32, #tpu.memory_space<vmem_shared>>)
        tpu.yield
      }) : () -> ()
      %run_scoped3A_198 = arith.constant 2 : i32
      "tpu.region"() ({
        %run_scoped3A_200 = tpu.sem_alloc : memref<!tpu.dma_semaphore, #tpu.memory_space<semaphore_mem>>
        %dma_start3A_201 = arith.constant 0 : i32
        %dma_start3A_202 = tpu.memref_slice %arg15[%run_scoped3A_198, %dma_start3A_201] : memref<4x400xf32, #tpu.memory_space<vmem>> -> memref<1x400xf32, #tpu.memory_space<vmem>>
        %dma_start3A_203 = tpu.memref_squeeze %dma_start3A_202 : memref<1x400xf32, #tpu.memory_space<vmem>> -> memref<400xf32, #tpu.memory_space<vmem>>
        %dma_start3A_204 = arith.constant 0 : i32
        %dma_start3A_205 = tpu.memref_slice %arg18[%dma_start3A_204] : memref<10000xf32, #tpu.memory_space<vmem_shared>> -> memref<10000xf32, #tpu.memory_space<vmem_shared>>
        tpu.enqueue_indirect_dma source(%dma_start3A_203 : memref<400xf32, #tpu.memory_space<vmem>>) target(%dma_start3A_205 : memref<10000xf32, #tpu.memory_space<vmem_shared>>) offsets(%arg10 : memref<400xi32, #tpu.memory_space<vmem>>) semaphore(%run_scoped3A_200 : memref<!tpu.dma_semaphore, #tpu.memory_space<semaphore_mem>>) {add = true}
        %dma_wait3A_206 = arith.constant 0 : i32
        %dma_wait3A_207 = tpu.memref_slice %arg15[%run_scoped3A_198, %dma_wait3A_206] : memref<4x400xf32, #tpu.memory_space<vmem>> -> memref<1x400xf32, #tpu.memory_space<vmem>>
        %dma_wait3A_208 = tpu.memref_squeeze %dma_wait3A_207 : memref<1x400xf32, #tpu.memory_space<vmem>> -> memref<400xf32, #tpu.memory_space<vmem>>
        %dma_wait3A_209 = arith.constant 0 : i32
        %dma_wait3A_210 = tpu.memref_slice %arg18[%dma_wait3A_209] : memref<10000xf32, #tpu.memory_space<vmem_shared>> -> memref<10000xf32, #tpu.memory_space<vmem_shared>>
        tpu.wait_indirect_dma semaphore(%run_scoped3A_200 : memref<!tpu.dma_semaphore, #tpu.memory_space<semaphore_mem>>) src(%dma_wait3A_208 : memref<400xf32, #tpu.memory_space<vmem>>) dst(%dma_wait3A_210 : memref<10000xf32, #tpu.memory_space<vmem_shared>>)
        tpu.yield
      }) : () -> ()
      %run_scoped3A_199 = arith.constant 3 : i32
      "tpu.region"() ({
        %run_scoped3A_200 = tpu.sem_alloc : memref<!tpu.dma_semaphore, #tpu.memory_space<semaphore_mem>>
        %dma_start3A_201 = arith.constant 0 : i32
        %dma_start3A_202 = tpu.memref_slice %arg15[%run_scoped3A_199, %dma_start3A_201] : memref<4x400xf32, #tpu.memory_space<vmem>> -> memref<1x400xf32, #tpu.memory_space<vmem>>
        %dma_start3A_203 = tpu.memref_squeeze %dma_start3A_202 : memref<1x400xf32, #tpu.memory_space<vmem>> -> memref<400xf32, #tpu.memory_space<vmem>>
        %dma_start3A_204 = arith.constant 0 : i32
        %dma_start3A_205 = tpu.memref_slice %arg19[%dma_start3A_204] : memref<10000xf32, #tpu.memory_space<vmem_shared>> -> memref<10000xf32, #tpu.memory_space<vmem_shared>>
        tpu.enqueue_indirect_dma source(%dma_start3A_203 : memref<400xf32, #tpu.memory_space<vmem>>) target(%dma_start3A_205 : memref<10000xf32, #tpu.memory_space<vmem_shared>>) offsets(%arg10 : memref<400xi32, #tpu.memory_space<vmem>>) semaphore(%run_scoped3A_200 : memref<!tpu.dma_semaphore, #tpu.memory_space<semaphore_mem>>) {add = true}
        %dma_wait3A_206 = arith.constant 0 : i32
        %dma_wait3A_207 = tpu.memref_slice %arg15[%run_scoped3A_199, %dma_wait3A_206] : memref<4x400xf32, #tpu.memory_space<vmem>> -> memref<1x400xf32, #tpu.memory_space<vmem>>
        %dma_wait3A_208 = tpu.memref_squeeze %dma_wait3A_207 : memref<1x400xf32, #tpu.memory_space<vmem>> -> memref<400xf32, #tpu.memory_space<vmem>>
        %dma_wait3A_209 = arith.constant 0 : i32
        %dma_wait3A_210 = tpu.memref_slice %arg19[%dma_wait3A_209] : memref<10000xf32, #tpu.memory_space<vmem_shared>> -> memref<10000xf32, #tpu.memory_space<vmem_shared>>
        tpu.wait_indirect_dma semaphore(%run_scoped3A_200 : memref<!tpu.dma_semaphore, #tpu.memory_space<semaphore_mem>>) src(%dma_wait3A_208 : memref<400xf32, #tpu.memory_space<vmem>>) dst(%dma_wait3A_210 : memref<10000xf32, #tpu.memory_space<vmem_shared>>)
        tpu.yield
      }) : () -> ()
    }
    %scan3A_9 = arith.constant 25 : i32
    %barrier3A_10 = arith.constant 0 : index
    tpu.barrier barrier_id(%barrier3A_10)
    %eq3A_11 = arith.constant 0 : i32
    %eq3A_12 = arith.cmpi eq, %arg1, %eq3A_11 : i32
    %eq3A_13 = arith.constant 0 : i32
    %eq3A_14 = arith.cmpi eq, %arg0, %eq3A_13 : i32
    %and3A = arith.andi %eq3A_12, %eq3A_14 : i1
    %convert_element_type3A_15 = arith.extui %and3A : i1 to i32
    %cond3A_16 = arith.constant 0 : i32
    %cond3A_17 = arith.cmpi ne, %convert_element_type3A_15, %cond3A_16 : i32
    scf.if %cond3A_17 {
      "tpu.region"() ({
        %run_scoped3A_29 = tpu.sem_alloc : memref<!tpu.dma_semaphore, #tpu.memory_space<semaphore_mem>>
        tpu.enqueue_dma source(%arg16 : memref<10000xf32, #tpu.memory_space<vmem_shared>>) target(%arg20 : memref<10000xf32, #tpu.memory_space<vmem>>) target_semaphore(%run_scoped3A_29 : memref<!tpu.dma_semaphore, #tpu.memory_space<semaphore_mem>>)
        tpu.wait_dma2 semaphore(%run_scoped3A_29 : memref<!tpu.dma_semaphore, #tpu.memory_space<semaphore_mem>>) src(%arg16 : memref<10000xf32, #tpu.memory_space<vmem_shared>>) dst(%arg20 : memref<10000xf32, #tpu.memory_space<vmem>>)
        tpu.yield
      }) : () -> ()
      %run_scoped3A = arith.constant 0 : i32
      "tpu.region"() ({
        %run_scoped3A_29 = tpu.sem_alloc : memref<!tpu.dma_semaphore, #tpu.memory_space<semaphore_mem>>
        %dma_start3A = arith.constant 0 : i32
        %dma_start3A_30 = tpu.memref_slice %arg8[%run_scoped3A, %dma_start3A] : memref<4x10000xf32, #tpu.memory_space<hbm>> -> memref<1x10000xf32, #tpu.memory_space<hbm>>
        %dma_start3A_31 = tpu.memref_squeeze %dma_start3A_30 : memref<1x10000xf32, #tpu.memory_space<hbm>> -> memref<10000xf32, #tpu.memory_space<hbm>>
        %dma_start3A_32 = arith.constant 0 : i32
        %dma_start3A_33 = tpu.memref_slice %arg8[%run_scoped3A, %dma_start3A_32] : memref<4x10000xf32, #tpu.memory_space<hbm>> -> memref<1x10000xf32, #tpu.memory_space<hbm>>
        %dma_start3A_34 = tpu.memref_squeeze %dma_start3A_33 : memref<1x10000xf32, #tpu.memory_space<hbm>> -> memref<10000xf32, #tpu.memory_space<hbm>>
        tpu.enqueue_dma source(%arg20 : memref<10000xf32, #tpu.memory_space<vmem>>) target(%dma_start3A_34 : memref<10000xf32, #tpu.memory_space<hbm>>) target_semaphore(%run_scoped3A_29 : memref<!tpu.dma_semaphore, #tpu.memory_space<semaphore_mem>>)
        %dma_wait3A = arith.constant 0 : i32
        %dma_wait3A_35 = tpu.memref_slice %arg8[%run_scoped3A, %dma_wait3A] : memref<4x10000xf32, #tpu.memory_space<hbm>> -> memref<1x10000xf32, #tpu.memory_space<hbm>>
        %dma_wait3A_36 = tpu.memref_squeeze %dma_wait3A_35 : memref<1x10000xf32, #tpu.memory_space<hbm>> -> memref<10000xf32, #tpu.memory_space<hbm>>
        %dma_wait3A_37 = arith.constant 0 : i32
        %dma_wait3A_38 = tpu.memref_slice %arg8[%run_scoped3A, %dma_wait3A_37] : memref<4x10000xf32, #tpu.memory_space<hbm>> -> memref<1x10000xf32, #tpu.memory_space<hbm>>
        %dma_wait3A_39 = tpu.memref_squeeze %dma_wait3A_38 : memref<1x10000xf32, #tpu.memory_space<hbm>> -> memref<10000xf32, #tpu.memory_space<hbm>>
        tpu.wait_dma2 semaphore(%run_scoped3A_29 : memref<!tpu.dma_semaphore, #tpu.memory_space<semaphore_mem>>) src(%arg20 : memref<10000xf32, #tpu.memory_space<vmem>>) dst(%dma_wait3A_39 : memref<10000xf32, #tpu.memory_space<hbm>>)
        tpu.yield
      }) : () -> ()
      "tpu.region"() ({
        %run_scoped3A_29 = tpu.sem_alloc : memref<!tpu.dma_semaphore, #tpu.memory_space<semaphore_mem>>
        tpu.enqueue_dma source(%arg17 : memref<10000xf32, #tpu.memory_space<vmem_shared>>) target(%arg20 : memref<10000xf32, #tpu.memory_space<vmem>>) target_semaphore(%run_scoped3A_29 : memref<!tpu.dma_semaphore, #tpu.memory_space<semaphore_mem>>)
        tpu.wait_dma2 semaphore(%run_scoped3A_29 : memref<!tpu.dma_semaphore, #tpu.memory_space<semaphore_mem>>) src(%arg17 : memref<10000xf32, #tpu.memory_space<vmem_shared>>) dst(%arg20 : memref<10000xf32, #tpu.memory_space<vmem>>)
        tpu.yield
      }) : () -> ()
      %run_scoped3A_26 = arith.constant 1 : i32
      "tpu.region"() ({
        %run_scoped3A_29 = tpu.sem_alloc : memref<!tpu.dma_semaphore, #tpu.memory_space<semaphore_mem>>
        %dma_start3A = arith.constant 0 : i32
        %dma_start3A_30 = tpu.memref_slice %arg8[%run_scoped3A_26, %dma_start3A] : memref<4x10000xf32, #tpu.memory_space<hbm>> -> memref<1x10000xf32, #tpu.memory_space<hbm>>
        %dma_start3A_31 = tpu.memref_squeeze %dma_start3A_30 : memref<1x10000xf32, #tpu.memory_space<hbm>> -> memref<10000xf32, #tpu.memory_space<hbm>>
        %dma_start3A_32 = arith.constant 0 : i32
        %dma_start3A_33 = tpu.memref_slice %arg8[%run_scoped3A_26, %dma_start3A_32] : memref<4x10000xf32, #tpu.memory_space<hbm>> -> memref<1x10000xf32, #tpu.memory_space<hbm>>
        %dma_start3A_34 = tpu.memref_squeeze %dma_start3A_33 : memref<1x10000xf32, #tpu.memory_space<hbm>> -> memref<10000xf32, #tpu.memory_space<hbm>>
        tpu.enqueue_dma source(%arg20 : memref<10000xf32, #tpu.memory_space<vmem>>) target(%dma_start3A_34 : memref<10000xf32, #tpu.memory_space<hbm>>) target_semaphore(%run_scoped3A_29 : memref<!tpu.dma_semaphore, #tpu.memory_space<semaphore_mem>>)
        %dma_wait3A = arith.constant 0 : i32
        %dma_wait3A_35 = tpu.memref_slice %arg8[%run_scoped3A_26, %dma_wait3A] : memref<4x10000xf32, #tpu.memory_space<hbm>> -> memref<1x10000xf32, #tpu.memory_space<hbm>>
        %dma_wait3A_36 = tpu.memref_squeeze %dma_wait3A_35 : memref<1x10000xf32, #tpu.memory_space<hbm>> -> memref<10000xf32, #tpu.memory_space<hbm>>
        %dma_wait3A_37 = arith.constant 0 : i32
        %dma_wait3A_38 = tpu.memref_slice %arg8[%run_scoped3A_26, %dma_wait3A_37] : memref<4x10000xf32, #tpu.memory_space<hbm>> -> memref<1x10000xf32, #tpu.memory_space<hbm>>
        %dma_wait3A_39 = tpu.memref_squeeze %dma_wait3A_38 : memref<1x10000xf32, #tpu.memory_space<hbm>> -> memref<10000xf32, #tpu.memory_space<hbm>>
        tpu.wait_dma2 semaphore(%run_scoped3A_29 : memref<!tpu.dma_semaphore, #tpu.memory_space<semaphore_mem>>) src(%arg20 : memref<10000xf32, #tpu.memory_space<vmem>>) dst(%dma_wait3A_39 : memref<10000xf32, #tpu.memory_space<hbm>>)
        tpu.yield
      }) : () -> ()
      "tpu.region"() ({
        %run_scoped3A_29 = tpu.sem_alloc : memref<!tpu.dma_semaphore, #tpu.memory_space<semaphore_mem>>
        tpu.enqueue_dma source(%arg18 : memref<10000xf32, #tpu.memory_space<vmem_shared>>) target(%arg20 : memref<10000xf32, #tpu.memory_space<vmem>>) target_semaphore(%run_scoped3A_29 : memref<!tpu.dma_semaphore, #tpu.memory_space<semaphore_mem>>)
        tpu.wait_dma2 semaphore(%run_scoped3A_29 : memref<!tpu.dma_semaphore, #tpu.memory_space<semaphore_mem>>) src(%arg18 : memref<10000xf32, #tpu.memory_space<vmem_shared>>) dst(%arg20 : memref<10000xf32, #tpu.memory_space<vmem>>)
        tpu.yield
      }) : () -> ()
      %run_scoped3A_27 = arith.constant 2 : i32
      "tpu.region"() ({
        %run_scoped3A_29 = tpu.sem_alloc : memref<!tpu.dma_semaphore, #tpu.memory_space<semaphore_mem>>
        %dma_start3A = arith.constant 0 : i32
        %dma_start3A_30 = tpu.memref_slice %arg8[%run_scoped3A_27, %dma_start3A] : memref<4x10000xf32, #tpu.memory_space<hbm>> -> memref<1x10000xf32, #tpu.memory_space<hbm>>
        %dma_start3A_31 = tpu.memref_squeeze %dma_start3A_30 : memref<1x10000xf32, #tpu.memory_space<hbm>> -> memref<10000xf32, #tpu.memory_space<hbm>>
        %dma_start3A_32 = arith.constant 0 : i32
        %dma_start3A_33 = tpu.memref_slice %arg8[%run_scoped3A_27, %dma_start3A_32] : memref<4x10000xf32, #tpu.memory_space<hbm>> -> memref<1x10000xf32, #tpu.memory_space<hbm>>
        %dma_start3A_34 = tpu.memref_squeeze %dma_start3A_33 : memref<1x10000xf32, #tpu.memory_space<hbm>> -> memref<10000xf32, #tpu.memory_space<hbm>>
        tpu.enqueue_dma source(%arg20 : memref<10000xf32, #tpu.memory_space<vmem>>) target(%dma_start3A_34 : memref<10000xf32, #tpu.memory_space<hbm>>) target_semaphore(%run_scoped3A_29 : memref<!tpu.dma_semaphore, #tpu.memory_space<semaphore_mem>>)
        %dma_wait3A = arith.constant 0 : i32
        %dma_wait3A_35 = tpu.memref_slice %arg8[%run_scoped3A_27, %dma_wait3A] : memref<4x10000xf32, #tpu.memory_space<hbm>> -> memref<1x10000xf32, #tpu.memory_space<hbm>>
        %dma_wait3A_36 = tpu.memref_squeeze %dma_wait3A_35 : memref<1x10000xf32, #tpu.memory_space<hbm>> -> memref<10000xf32, #tpu.memory_space<hbm>>
        %dma_wait3A_37 = arith.constant 0 : i32
        %dma_wait3A_38 = tpu.memref_slice %arg8[%run_scoped3A_27, %dma_wait3A_37] : memref<4x10000xf32, #tpu.memory_space<hbm>> -> memref<1x10000xf32, #tpu.memory_space<hbm>>
        %dma_wait3A_39 = tpu.memref_squeeze %dma_wait3A_38 : memref<1x10000xf32, #tpu.memory_space<hbm>> -> memref<10000xf32, #tpu.memory_space<hbm>>
        tpu.wait_dma2 semaphore(%run_scoped3A_29 : memref<!tpu.dma_semaphore, #tpu.memory_space<semaphore_mem>>) src(%arg20 : memref<10000xf32, #tpu.memory_space<vmem>>) dst(%dma_wait3A_39 : memref<10000xf32, #tpu.memory_space<hbm>>)
        tpu.yield
      }) : () -> ()
      "tpu.region"() ({
        %run_scoped3A_29 = tpu.sem_alloc : memref<!tpu.dma_semaphore, #tpu.memory_space<semaphore_mem>>
        tpu.enqueue_dma source(%arg19 : memref<10000xf32, #tpu.memory_space<vmem_shared>>) target(%arg20 : memref<10000xf32, #tpu.memory_space<vmem>>) target_semaphore(%run_scoped3A_29 : memref<!tpu.dma_semaphore, #tpu.memory_space<semaphore_mem>>)
        tpu.wait_dma2 semaphore(%run_scoped3A_29 : memref<!tpu.dma_semaphore, #tpu.memory_space<semaphore_mem>>) src(%arg19 : memref<10000xf32, #tpu.memory_space<vmem_shared>>) dst(%arg20 : memref<10000xf32, #tpu.memory_space<vmem>>)
        tpu.yield
      }) : () -> ()
      %run_scoped3A_28 = arith.constant 3 : i32
      "tpu.region"() ({
        %run_scoped3A_29 = tpu.sem_alloc : memref<!tpu.dma_semaphore, #tpu.memory_space<semaphore_mem>>
        %dma_start3A = arith.constant 0 : i32
        %dma_start3A_30 = tpu.memref_slice %arg8[%run_scoped3A_28, %dma_start3A] : memref<4x10000xf32, #tpu.memory_space<hbm>> -> memref<1x10000xf32, #tpu.memory_space<hbm>>
        %dma_start3A_31 = tpu.memref_squeeze %dma_start3A_30 : memref<1x10000xf32, #tpu.memory_space<hbm>> -> memref<10000xf32, #tpu.memory_space<hbm>>
        %dma_start3A_32 = arith.constant 0 : i32
        %dma_start3A_33 = tpu.memref_slice %arg8[%run_scoped3A_28, %dma_start3A_32] : memref<4x10000xf32, #tpu.memory_space<hbm>> -> memref<1x10000xf32, #tpu.memory_space<hbm>>
        %dma_start3A_34 = tpu.memref_squeeze %dma_start3A_33 : memref<1x10000xf32, #tpu.memory_space<hbm>> -> memref<10000xf32, #tpu.memory_space<hbm>>
        tpu.enqueue_dma source(%arg20 : memref<10000xf32, #tpu.memory_space<vmem>>) target(%dma_start3A_34 : memref<10000xf32, #tpu.memory_space<hbm>>) target_semaphore(%run_scoped3A_29 : memref<!tpu.dma_semaphore, #tpu.memory_space<semaphore_mem>>)
        %dma_wait3A = arith.constant 0 : i32
        %dma_wait3A_35 = tpu.memref_slice %arg8[%run_scoped3A_28, %dma_wait3A] : memref<4x10000xf32, #tpu.memory_space<hbm>> -> memref<1x10000xf32, #tpu.memory_space<hbm>>
        %dma_wait3A_36 = tpu.memref_squeeze %dma_wait3A_35 : memref<1x10000xf32, #tpu.memory_space<hbm>> -> memref<10000xf32, #tpu.memory_space<hbm>>
        %dma_wait3A_37 = arith.constant 0 : i32
        %dma_wait3A_38 = tpu.memref_slice %arg8[%run_scoped3A_28, %dma_wait3A_37] : memref<4x10000xf32, #tpu.memory_space<hbm>> -> memref<1x10000xf32, #tpu.memory_space<hbm>>
        %dma_wait3A_39 = tpu.memref_squeeze %dma_wait3A_38 : memref<1x10000xf32, #tpu.memory_space<hbm>> -> memref<10000xf32, #tpu.memory_space<hbm>>
        tpu.wait_dma2 semaphore(%run_scoped3A_29 : memref<!tpu.dma_semaphore, #tpu.memory_space<semaphore_mem>>) src(%arg20 : memref<10000xf32, #tpu.memory_space<vmem>>) dst(%dma_wait3A_39 : memref<10000xf32, #tpu.memory_space<hbm>>)
        tpu.yield
      }) : () -> ()
    } else {
    }
    %eq3A_18 = arith.constant 0 : i32
    %eq3A_19 = arith.cmpi eq, %arg1, %eq3A_18 : i32
    %eq3A_20 = arith.constant 1 : i32
    %eq3A_21 = arith.cmpi eq, %arg0, %eq3A_20 : i32
    %and3A_22 = arith.andi %eq3A_19, %eq3A_21 : i1
    %convert_element_type3A_23 = arith.extui %and3A_22 : i1 to i32
    %cond3A_24 = arith.constant 0 : i32
    %cond3A_25 = arith.cmpi ne, %convert_element_type3A_23, %cond3A_24 : i32
    scf.if %cond3A_25 {
      "tpu.region"() ({
        %run_scoped3A_29 = tpu.sem_alloc : memref<!tpu.dma_semaphore, #tpu.memory_space<semaphore_mem>>
        tpu.enqueue_dma source(%arg16 : memref<10000xf32, #tpu.memory_space<vmem_shared>>) target(%arg20 : memref<10000xf32, #tpu.memory_space<vmem>>) target_semaphore(%run_scoped3A_29 : memref<!tpu.dma_semaphore, #tpu.memory_space<semaphore_mem>>)
        tpu.wait_dma2 semaphore(%run_scoped3A_29 : memref<!tpu.dma_semaphore, #tpu.memory_space<semaphore_mem>>) src(%arg16 : memref<10000xf32, #tpu.memory_space<vmem_shared>>) dst(%arg20 : memref<10000xf32, #tpu.memory_space<vmem>>)
        tpu.yield
      }) : () -> ()
      %run_scoped3A = arith.constant 0 : i32
      "tpu.region"() ({
        %run_scoped3A_29 = tpu.sem_alloc : memref<!tpu.dma_semaphore, #tpu.memory_space<semaphore_mem>>
        %dma_start3A = arith.constant 0 : i32
        %dma_start3A_30 = tpu.memref_slice %arg9[%run_scoped3A, %dma_start3A] : memref<4x10000xf32, #tpu.memory_space<hbm>> -> memref<1x10000xf32, #tpu.memory_space<hbm>>
        %dma_start3A_31 = tpu.memref_squeeze %dma_start3A_30 : memref<1x10000xf32, #tpu.memory_space<hbm>> -> memref<10000xf32, #tpu.memory_space<hbm>>
        %dma_start3A_32 = arith.constant 0 : i32
        %dma_start3A_33 = tpu.memref_slice %arg9[%run_scoped3A, %dma_start3A_32] : memref<4x10000xf32, #tpu.memory_space<hbm>> -> memref<1x10000xf32, #tpu.memory_space<hbm>>
        %dma_start3A_34 = tpu.memref_squeeze %dma_start3A_33 : memref<1x10000xf32, #tpu.memory_space<hbm>> -> memref<10000xf32, #tpu.memory_space<hbm>>
        tpu.enqueue_dma source(%arg20 : memref<10000xf32, #tpu.memory_space<vmem>>) target(%dma_start3A_34 : memref<10000xf32, #tpu.memory_space<hbm>>) target_semaphore(%run_scoped3A_29 : memref<!tpu.dma_semaphore, #tpu.memory_space<semaphore_mem>>)
        %dma_wait3A = arith.constant 0 : i32
        %dma_wait3A_35 = tpu.memref_slice %arg9[%run_scoped3A, %dma_wait3A] : memref<4x10000xf32, #tpu.memory_space<hbm>> -> memref<1x10000xf32, #tpu.memory_space<hbm>>
        %dma_wait3A_36 = tpu.memref_squeeze %dma_wait3A_35 : memref<1x10000xf32, #tpu.memory_space<hbm>> -> memref<10000xf32, #tpu.memory_space<hbm>>
        %dma_wait3A_37 = arith.constant 0 : i32
        %dma_wait3A_38 = tpu.memref_slice %arg9[%run_scoped3A, %dma_wait3A_37] : memref<4x10000xf32, #tpu.memory_space<hbm>> -> memref<1x10000xf32, #tpu.memory_space<hbm>>
        %dma_wait3A_39 = tpu.memref_squeeze %dma_wait3A_38 : memref<1x10000xf32, #tpu.memory_space<hbm>> -> memref<10000xf32, #tpu.memory_space<hbm>>
        tpu.wait_dma2 semaphore(%run_scoped3A_29 : memref<!tpu.dma_semaphore, #tpu.memory_space<semaphore_mem>>) src(%arg20 : memref<10000xf32, #tpu.memory_space<vmem>>) dst(%dma_wait3A_39 : memref<10000xf32, #tpu.memory_space<hbm>>)
        tpu.yield
      }) : () -> ()
      "tpu.region"() ({
        %run_scoped3A_29 = tpu.sem_alloc : memref<!tpu.dma_semaphore, #tpu.memory_space<semaphore_mem>>
        tpu.enqueue_dma source(%arg17 : memref<10000xf32, #tpu.memory_space<vmem_shared>>) target(%arg20 : memref<10000xf32, #tpu.memory_space<vmem>>) target_semaphore(%run_scoped3A_29 : memref<!tpu.dma_semaphore, #tpu.memory_space<semaphore_mem>>)
        tpu.wait_dma2 semaphore(%run_scoped3A_29 : memref<!tpu.dma_semaphore, #tpu.memory_space<semaphore_mem>>) src(%arg17 : memref<10000xf32, #tpu.memory_space<vmem_shared>>) dst(%arg20 : memref<10000xf32, #tpu.memory_space<vmem>>)
        tpu.yield
      }) : () -> ()
      %run_scoped3A_26 = arith.constant 1 : i32
      "tpu.region"() ({
        %run_scoped3A_29 = tpu.sem_alloc : memref<!tpu.dma_semaphore, #tpu.memory_space<semaphore_mem>>
        %dma_start3A = arith.constant 0 : i32
        %dma_start3A_30 = tpu.memref_slice %arg9[%run_scoped3A_26, %dma_start3A] : memref<4x10000xf32, #tpu.memory_space<hbm>> -> memref<1x10000xf32, #tpu.memory_space<hbm>>
        %dma_start3A_31 = tpu.memref_squeeze %dma_start3A_30 : memref<1x10000xf32, #tpu.memory_space<hbm>> -> memref<10000xf32, #tpu.memory_space<hbm>>
        %dma_start3A_32 = arith.constant 0 : i32
        %dma_start3A_33 = tpu.memref_slice %arg9[%run_scoped3A_26, %dma_start3A_32] : memref<4x10000xf32, #tpu.memory_space<hbm>> -> memref<1x10000xf32, #tpu.memory_space<hbm>>
        %dma_start3A_34 = tpu.memref_squeeze %dma_start3A_33 : memref<1x10000xf32, #tpu.memory_space<hbm>> -> memref<10000xf32, #tpu.memory_space<hbm>>
        tpu.enqueue_dma source(%arg20 : memref<10000xf32, #tpu.memory_space<vmem>>) target(%dma_start3A_34 : memref<10000xf32, #tpu.memory_space<hbm>>) target_semaphore(%run_scoped3A_29 : memref<!tpu.dma_semaphore, #tpu.memory_space<semaphore_mem>>)
        %dma_wait3A = arith.constant 0 : i32
        %dma_wait3A_35 = tpu.memref_slice %arg9[%run_scoped3A_26, %dma_wait3A] : memref<4x10000xf32, #tpu.memory_space<hbm>> -> memref<1x10000xf32, #tpu.memory_space<hbm>>
        %dma_wait3A_36 = tpu.memref_squeeze %dma_wait3A_35 : memref<1x10000xf32, #tpu.memory_space<hbm>> -> memref<10000xf32, #tpu.memory_space<hbm>>
        %dma_wait3A_37 = arith.constant 0 : i32
        %dma_wait3A_38 = tpu.memref_slice %arg9[%run_scoped3A_26, %dma_wait3A_37] : memref<4x10000xf32, #tpu.memory_space<hbm>> -> memref<1x10000xf32, #tpu.memory_space<hbm>>
        %dma_wait3A_39 = tpu.memref_squeeze %dma_wait3A_38 : memref<1x10000xf32, #tpu.memory_space<hbm>> -> memref<10000xf32, #tpu.memory_space<hbm>>
        tpu.wait_dma2 semaphore(%run_scoped3A_29 : memref<!tpu.dma_semaphore, #tpu.memory_space<semaphore_mem>>) src(%arg20 : memref<10000xf32, #tpu.memory_space<vmem>>) dst(%dma_wait3A_39 : memref<10000xf32, #tpu.memory_space<hbm>>)
        tpu.yield
      }) : () -> ()
      "tpu.region"() ({
        %run_scoped3A_29 = tpu.sem_alloc : memref<!tpu.dma_semaphore, #tpu.memory_space<semaphore_mem>>
        tpu.enqueue_dma source(%arg18 : memref<10000xf32, #tpu.memory_space<vmem_shared>>) target(%arg20 : memref<10000xf32, #tpu.memory_space<vmem>>) target_semaphore(%run_scoped3A_29 : memref<!tpu.dma_semaphore, #tpu.memory_space<semaphore_mem>>)
        tpu.wait_dma2 semaphore(%run_scoped3A_29 : memref<!tpu.dma_semaphore, #tpu.memory_space<semaphore_mem>>) src(%arg18 : memref<10000xf32, #tpu.memory_space<vmem_shared>>) dst(%arg20 : memref<10000xf32, #tpu.memory_space<vmem>>)
        tpu.yield
      }) : () -> ()
      %run_scoped3A_27 = arith.constant 2 : i32
      "tpu.region"() ({
        %run_scoped3A_29 = tpu.sem_alloc : memref<!tpu.dma_semaphore, #tpu.memory_space<semaphore_mem>>
        %dma_start3A = arith.constant 0 : i32
        %dma_start3A_30 = tpu.memref_slice %arg9[%run_scoped3A_27, %dma_start3A] : memref<4x10000xf32, #tpu.memory_space<hbm>> -> memref<1x10000xf32, #tpu.memory_space<hbm>>
        %dma_start3A_31 = tpu.memref_squeeze %dma_start3A_30 : memref<1x10000xf32, #tpu.memory_space<hbm>> -> memref<10000xf32, #tpu.memory_space<hbm>>
        %dma_start3A_32 = arith.constant 0 : i32
        %dma_start3A_33 = tpu.memref_slice %arg9[%run_scoped3A_27, %dma_start3A_32] : memref<4x10000xf32, #tpu.memory_space<hbm>> -> memref<1x10000xf32, #tpu.memory_space<hbm>>
        %dma_start3A_34 = tpu.memref_squeeze %dma_start3A_33 : memref<1x10000xf32, #tpu.memory_space<hbm>> -> memref<10000xf32, #tpu.memory_space<hbm>>
        tpu.enqueue_dma source(%arg20 : memref<10000xf32, #tpu.memory_space<vmem>>) target(%dma_start3A_34 : memref<10000xf32, #tpu.memory_space<hbm>>) target_semaphore(%run_scoped3A_29 : memref<!tpu.dma_semaphore, #tpu.memory_space<semaphore_mem>>)
        %dma_wait3A = arith.constant 0 : i32
        %dma_wait3A_35 = tpu.memref_slice %arg9[%run_scoped3A_27, %dma_wait3A] : memref<4x10000xf32, #tpu.memory_space<hbm>> -> memref<1x10000xf32, #tpu.memory_space<hbm>>
        %dma_wait3A_36 = tpu.memref_squeeze %dma_wait3A_35 : memref<1x10000xf32, #tpu.memory_space<hbm>> -> memref<10000xf32, #tpu.memory_space<hbm>>
        %dma_wait3A_37 = arith.constant 0 : i32
        %dma_wait3A_38 = tpu.memref_slice %arg9[%run_scoped3A_27, %dma_wait3A_37] : memref<4x10000xf32, #tpu.memory_space<hbm>> -> memref<1x10000xf32, #tpu.memory_space<hbm>>
        %dma_wait3A_39 = tpu.memref_squeeze %dma_wait3A_38 : memref<1x10000xf32, #tpu.memory_space<hbm>> -> memref<10000xf32, #tpu.memory_space<hbm>>
        tpu.wait_dma2 semaphore(%run_scoped3A_29 : memref<!tpu.dma_semaphore, #tpu.memory_space<semaphore_mem>>) src(%arg20 : memref<10000xf32, #tpu.memory_space<vmem>>) dst(%dma_wait3A_39 : memref<10000xf32, #tpu.memory_space<hbm>>)
        tpu.yield
      }) : () -> ()
      "tpu.region"() ({
        %run_scoped3A_29 = tpu.sem_alloc : memref<!tpu.dma_semaphore, #tpu.memory_space<semaphore_mem>>
        tpu.enqueue_dma source(%arg19 : memref<10000xf32, #tpu.memory_space<vmem_shared>>) target(%arg20 : memref<10000xf32, #tpu.memory_space<vmem>>) target_semaphore(%run_scoped3A_29 : memref<!tpu.dma_semaphore, #tpu.memory_space<semaphore_mem>>)
        tpu.wait_dma2 semaphore(%run_scoped3A_29 : memref<!tpu.dma_semaphore, #tpu.memory_space<semaphore_mem>>) src(%arg19 : memref<10000xf32, #tpu.memory_space<vmem_shared>>) dst(%arg20 : memref<10000xf32, #tpu.memory_space<vmem>>)
        tpu.yield
      }) : () -> ()
      %run_scoped3A_28 = arith.constant 3 : i32
      "tpu.region"() ({
        %run_scoped3A_29 = tpu.sem_alloc : memref<!tpu.dma_semaphore, #tpu.memory_space<semaphore_mem>>
        %dma_start3A = arith.constant 0 : i32
        %dma_start3A_30 = tpu.memref_slice %arg9[%run_scoped3A_28, %dma_start3A] : memref<4x10000xf32, #tpu.memory_space<hbm>> -> memref<1x10000xf32, #tpu.memory_space<hbm>>
        %dma_start3A_31 = tpu.memref_squeeze %dma_start3A_30 : memref<1x10000xf32, #tpu.memory_space<hbm>> -> memref<10000xf32, #tpu.memory_space<hbm>>
        %dma_start3A_32 = arith.constant 0 : i32
        %dma_start3A_33 = tpu.memref_slice %arg9[%run_scoped3A_28, %dma_start3A_32] : memref<4x10000xf32, #tpu.memory_space<hbm>> -> memref<1x10000xf32, #tpu.memory_space<hbm>>
        %dma_start3A_34 = tpu.memref_squeeze %dma_start3A_33 : memref<1x10000xf32, #tpu.memory_space<hbm>> -> memref<10000xf32, #tpu.memory_space<hbm>>
        tpu.enqueue_dma source(%arg20 : memref<10000xf32, #tpu.memory_space<vmem>>) target(%dma_start3A_34 : memref<10000xf32, #tpu.memory_space<hbm>>) target_semaphore(%run_scoped3A_29 : memref<!tpu.dma_semaphore, #tpu.memory_space<semaphore_mem>>)
        %dma_wait3A = arith.constant 0 : i32
        %dma_wait3A_35 = tpu.memref_slice %arg9[%run_scoped3A_28, %dma_wait3A] : memref<4x10000xf32, #tpu.memory_space<hbm>> -> memref<1x10000xf32, #tpu.memory_space<hbm>>
        %dma_wait3A_36 = tpu.memref_squeeze %dma_wait3A_35 : memref<1x10000xf32, #tpu.memory_space<hbm>> -> memref<10000xf32, #tpu.memory_space<hbm>>
        %dma_wait3A_37 = arith.constant 0 : i32
        %dma_wait3A_38 = tpu.memref_slice %arg9[%run_scoped3A_28, %dma_wait3A_37] : memref<4x10000xf32, #tpu.memory_space<hbm>> -> memref<1x10000xf32, #tpu.memory_space<hbm>>
        %dma_wait3A_39 = tpu.memref_squeeze %dma_wait3A_38 : memref<1x10000xf32, #tpu.memory_space<hbm>> -> memref<10000xf32, #tpu.memory_space<hbm>>
        tpu.wait_dma2 semaphore(%run_scoped3A_29 : memref<!tpu.dma_semaphore, #tpu.memory_space<semaphore_mem>>) src(%arg20 : memref<10000xf32, #tpu.memory_space<vmem>>) dst(%dma_wait3A_39 : memref<10000xf32, #tpu.memory_space<hbm>>)
        tpu.yield
      }) : () -> ()
    } else {
    }
    return
  }
}

module attributes {stable_mosaic.version = 14 : i64} {
  func.func @_proj_body(%arg0: i32, %arg1: memref<400x128xf32, #tpu.memory_space<vmem>>, %arg2: memref<128x128xf32, #tpu.memory_space<vmem>>, %arg3: memref<128x128xf32, #tpu.memory_space<vmem>>, %arg4: memref<128x128xf32, #tpu.memory_space<vmem>>, %arg5: memref<1x128xf32, #tpu.memory_space<vmem>>, %arg6: memref<1x128xf32, #tpu.memory_space<vmem>>, %arg7: memref<1x128xf32, #tpu.memory_space<vmem>>, %arg8: memref<400x128xf32, #tpu.memory_space<vmem>>, %arg9: memref<400x128xf32, #tpu.memory_space<vmem>>, %arg10: memref<400x128xf32, #tpu.memory_space<vmem>>) attributes {dimension_semantics = [#tpu.dimension_semantics<arbitrary>], iteration_bounds = array<i64: 25>, scalar_prefetch = 0 : i64, scratch_operands = 0 : i64, tpu.core_type = #tpu.core_type<tc>, window_params = [{transform_indices = @transform_0, window_bounds = array<i64: 400, 128>}, {pipeline_mode = #tpu.pipeline_mode<synchronous>, transform_indices = @transform_1, window_bounds = array<i64: 128, 128>}, {pipeline_mode = #tpu.pipeline_mode<synchronous>, transform_indices = @transform_2, window_bounds = array<i64: 128, 128>}, {pipeline_mode = #tpu.pipeline_mode<synchronous>, transform_indices = @transform_3, window_bounds = array<i64: 128, 128>}, {pipeline_mode = #tpu.pipeline_mode<synchronous>, transform_indices = @transform_4, window_bounds = array<i64: 1, 128>}, {pipeline_mode = #tpu.pipeline_mode<synchronous>, transform_indices = @transform_5, window_bounds = array<i64: 1, 128>}, {pipeline_mode = #tpu.pipeline_mode<synchronous>, transform_indices = @transform_6, window_bounds = array<i64: 1, 128>}, {transform_indices = @transform_7, window_bounds = array<i64: 400, 128>}, {transform_indices = @transform_8, window_bounds = array<i64: 400, 128>}, {transform_indices = @transform_9, window_bounds = array<i64: 400, 128>}]} {
    %get3A = arith.constant 0 : index
    %get3A_0 = arith.constant 0 : index
    %get3A_1 = vector.load %arg1[%get3A, %get3A_0] : memref<400x128xf32, #tpu.memory_space<vmem>>, vector<400x128xf32>
    %get3A_2 = arith.constant 0 : index
    %get3A_3 = arith.constant 0 : index
    %get3A_4 = vector.load %arg2[%get3A_2, %get3A_3] : memref<128x128xf32, #tpu.memory_space<vmem>>, vector<128x128xf32>
    %dot_general3A = arith.constant dense<0.000000e+00> : vector<400x128xf32>
    %dot_general3A_5 = tpu.matmul %get3A_1, %get3A_4, %dot_general3A {dimension_numbers = #tpu.dot_dimension_numbers<[1], [0], [0], [1], [0, 0, 1, 1], [], []>, transpose_lhs_hint = false} : vector<400x128xf32>, vector<128x128xf32>, vector<400x128xf32> -> vector<400x128xf32>
    %get3A_6 = arith.constant 0 : index
    %get3A_7 = arith.constant 0 : index
    %get3A_8 = vector.load %arg5[%get3A_6, %get3A_7] : memref<1x128xf32, #tpu.memory_space<vmem>>, vector<1x128xf32>
    %add3A = vector.broadcast %get3A_8 : vector<1x128xf32> to vector<400x128xf32>
    %add3A_9 = arith.addf %dot_general3A_5, %add3A : vector<400x128xf32>
    %swap3A = arith.constant 0 : index
    %swap3A_10 = arith.constant 0 : index
    %swap3A_11 = vector.load %arg8[%swap3A, %swap3A_10] : memref<400x128xf32, #tpu.memory_space<vmem>>, vector<400x128xf32>
    tpu.vector_store %arg8[%swap3A, %swap3A_10], %add3A_9 {strides = array<i32>} : memref<400x128xf32, #tpu.memory_space<vmem>>, vector<400x128xf32>,
    %get3A_12 = arith.constant 0 : index
    %get3A_13 = arith.constant 0 : index
    %get3A_14 = vector.load %arg3[%get3A_12, %get3A_13] : memref<128x128xf32, #tpu.memory_space<vmem>>, vector<128x128xf32>
    %dot_general3A_15 = arith.constant dense<0.000000e+00> : vector<400x128xf32>
    %dot_general3A_16 = tpu.matmul %get3A_1, %get3A_14, %dot_general3A_15 {dimension_numbers = #tpu.dot_dimension_numbers<[1], [0], [0], [1], [0, 0, 1, 1], [], []>, transpose_lhs_hint = false} : vector<400x128xf32>, vector<128x128xf32>, vector<400x128xf32> -> vector<400x128xf32>
    %get3A_17 = arith.constant 0 : index
    %get3A_18 = arith.constant 0 : index
    %get3A_19 = vector.load %arg6[%get3A_17, %get3A_18] : memref<1x128xf32, #tpu.memory_space<vmem>>, vector<1x128xf32>
    %add3A_20 = vector.broadcast %get3A_19 : vector<1x128xf32> to vector<400x128xf32>
    %add3A_21 = arith.addf %dot_general3A_16, %add3A_20 : vector<400x128xf32>
    %swap3A_22 = arith.constant 0 : index
    %swap3A_23 = arith.constant 0 : index
    %swap3A_24 = vector.load %arg9[%swap3A_22, %swap3A_23] : memref<400x128xf32, #tpu.memory_space<vmem>>, vector<400x128xf32>
    tpu.vector_store %arg9[%swap3A_22, %swap3A_23], %add3A_21 {strides = array<i32>} : memref<400x128xf32, #tpu.memory_space<vmem>>, vector<400x128xf32>,
    %get3A_25 = arith.constant 0 : index
    %get3A_26 = arith.constant 0 : index
    %get3A_27 = vector.load %arg4[%get3A_25, %get3A_26] : memref<128x128xf32, #tpu.memory_space<vmem>>, vector<128x128xf32>
    %dot_general3A_28 = arith.constant dense<0.000000e+00> : vector<400x128xf32>
    %dot_general3A_29 = tpu.matmul %get3A_1, %get3A_27, %dot_general3A_28 {dimension_numbers = #tpu.dot_dimension_numbers<[1], [0], [0], [1], [0, 0, 1, 1], [], []>, transpose_lhs_hint = false} : vector<400x128xf32>, vector<128x128xf32>, vector<400x128xf32> -> vector<400x128xf32>
    %get3A_30 = arith.constant 0 : index
    %get3A_31 = arith.constant 0 : index
    %get3A_32 = vector.load %arg7[%get3A_30, %get3A_31] : memref<1x128xf32, #tpu.memory_space<vmem>>, vector<1x128xf32>
    %add3A_33 = vector.broadcast %get3A_32 : vector<1x128xf32> to vector<400x128xf32>
    %add3A_34 = arith.addf %dot_general3A_29, %add3A_33 : vector<400x128xf32>
    %swap3A_35 = arith.constant 0 : index
    %swap3A_36 = arith.constant 0 : index
    %swap3A_37 = vector.load %arg10[%swap3A_35, %swap3A_36] : memref<400x128xf32, #tpu.memory_space<vmem>>, vector<400x128xf32>
    tpu.vector_store %arg10[%swap3A_35, %swap3A_36], %add3A_34 {strides = array<i32>} : memref<400x128xf32, #tpu.memory_space<vmem>>, vector<400x128xf32>,
    return
  }
  func.func @transform_0(%arg0: i32) -> (i32, i32) {
    %c0_i32 = arith.constant 0 : i32
    %c0_i32_0 = arith.constant 0 : i32
    return %arg0, %c0_i32 : i32, i32
  }
  func.func @transform_1(%arg0: i32) -> (i32, i32) {
    %c0_i32 = arith.constant 0 : i32
    %c0_i32_0 = arith.constant 0 : i32
    %c0_i32_1 = arith.constant 0 : i32
    return %c0_i32, %c0_i32_0 : i32, i32
  }
  func.func @transform_2(%arg0: i32) -> (i32, i32) {
    %c0_i32 = arith.constant 0 : i32
    %c0_i32_0 = arith.constant 0 : i32
    %c0_i32_1 = arith.constant 0 : i32
    return %c0_i32, %c0_i32_0 : i32, i32
  }
  func.func @transform_3(%arg0: i32) -> (i32, i32) {
    %c0_i32 = arith.constant 0 : i32
    %c0_i32_0 = arith.constant 0 : i32
    %c0_i32_1 = arith.constant 0 : i32
    return %c0_i32, %c0_i32_0 : i32, i32
  }
  func.func @transform_4(%arg0: i32) -> (i32, i32) {
    %c0_i32 = arith.constant 0 : i32
    %c0_i32_0 = arith.constant 0 : i32
    %c0_i32_1 = arith.constant 0 : i32
    return %c0_i32, %c0_i32_0 : i32, i32
  }
  func.func @transform_5(%arg0: i32) -> (i32, i32) {
    %c0_i32 = arith.constant 0 : i32
    %c0_i32_0 = arith.constant 0 : i32
    %c0_i32_1 = arith.constant 0 : i32
    return %c0_i32, %c0_i32_0 : i32, i32
  }
  func.func @transform_6(%arg0: i32) -> (i32, i32) {
    %c0_i32 = arith.constant 0 : i32
    %c0_i32_0 = arith.constant 0 : i32
    %c0_i32_1 = arith.constant 0 : i32
    return %c0_i32, %c0_i32_0 : i32, i32
  }
  func.func @transform_7(%arg0: i32) -> (i32, i32) {
    %c0_i32 = arith.constant 0 : i32
    %c0_i32_0 = arith.constant 0 : i32
    return %arg0, %c0_i32 : i32, i32
  }
  func.func @transform_8(%arg0: i32) -> (i32, i32) {
    %c0_i32 = arith.constant 0 : i32
    %c0_i32_0 = arith.constant 0 : i32
    return %arg0, %c0_i32 : i32, i32
  }
  func.func @transform_9(%arg0: i32) -> (i32, i32) {
    %c0_i32 = arith.constant 0 : i32
    %c0_i32_0 = arith.constant 0 : i32
    return %arg0, %c0_i32 : i32, i32
  }
}

</mosaic_0001>

<sc_bundles>
// kernel: kernel.5.cloned.1.call-start
scs
__scs_entry_jumppad:
0x0: {  	(pc) =	sbr.rel $0x88, $3  }
0x1: {  	(tag) =	ssettag $0x0;
	lr =	simm.s32 $0x1  }
0x2: {  	[smem:$0x3F99] =	sst lr;
	_ =	strace $0xD0000000  }
0x3: {  	_ = 	snop  }
0x4: {  	_ = 	snop  }
0x5: {  	_ = 	snop  }
0x6: {  	_ = 	snop  }
0x7: {  	_ = 	snop  }
__scs_overlays_trampoline_lowered:
0x8: {  	[smem:$0x3FA8] =	sst s0  }
0x9: {  	[smem:$0x3FA9] =	sst s1  }
0xa: {  	[smem:$0x3FAA] =	sst s2  }
0xb: {  	[smem:$0x3FAB] =	sst s3  }
0xc: {  	[smem:$0x3FAC] =	sst s4  }
0xd: {  	[smem:$0x3FAD] =	sst s5  }
0xe: {  	[smem:$0x3FAE] =	sst s6  }
0xf: {  	[smem:$0x3FAF] =	sst s7  }
0x10: {  	[smem:$0x3FB0] =	sst s8  }
0x11: {  	[smem:$0x3FB1] =	sst s9;
	s0 =	simm.s32 @!p0 $0x0  }
0x12: {  	s1 =	sld [smem:$0x3F97];
	s0 =	simm.s32 @p0 $0x1  }
0x13: {  	[smem:$0x3FB2] =	sst s0;
	s0 =	simm.s32 @!p1 $0x0  }
0x14: {  	s2 =	sld [smem:$0x3F96];
	s0 =	simm.s32 @p1 $0x1  }
0x15: {  	[smem:$0x3FB3] =	sst s0;
	s0 =	simm.s32 @!p2 $0x0  }
0x16: {  	s3 =	sld [smem:$0x3FDB];
	s0 =	simm.s32 @p2 $0x1  }
0x17: {  	s4 =	simm.s32 $0x1BF5;
	[smem:$0x3FB5] =	sst s0  }
0x18: {  	s0 =	sld [smem:$0x3F98];
	_ =	swait.ge [sflag:s4], $0x0  }
0x19: {  	s7 =	sld [smem:$0x3F99]  }
0x1a: {  	s8 =	sadd.s32 $0xFFFFE003, lr  }
0x1b: {  	s9 =	sadd.s32 $0xFFFFFEF7, lr;
	s5 =	simm.s32 $0xFFFFFFFF;
	p2 =	slt.u32 s8, $0xFFFFF086  }
0x1c: {  	p1 =	slt.u32 s9, $0xF7A;
	s5 =	simm.s32 @!p2 $0x0  }
0x1d: {  	s5 =	simm.s32 @p1 $0x1;
	p0 =	seq.s32 s7, s2  }
0x1e: {  	s7 =	smul.u32 @!p0 $0xF7A, s2;
	p2 =	seq.s32 @!p0 s5, $0x0  }
0x1f: {  	s9 =	smul.u32 $0xF7A, s1;
	s8 =	simm.s32 @!p0 $0x1BF5;
	p2 =	por !p2, p0  }
0x20: {  	[sflag:s8] =	ssyncset.s32 @!p0 $0xFFFFF086;
	s6 =	sadd.s32 @!p0 s3, s7;
	s7 =	simm.s32 @!p0 $0x108  }
0x21: {  	s3 =	sadd.s32 s3, s9;
	s6 =	sadd.s32 @!p0 $0x88, s6;
	s7 =	simm.s32 @p2 $0x1082  }
0x22: {  	[simem:s7], [sflag:s8] =	dma.local @!p0 [hbm:s6], $0xF7A  }
0x23: {  	s9 =	sor.u32 $0xD0000000, s2;
	s6 =	simm.s32 $0x108;
	_ =	swait.ge @!p0 [sflag:s8], $0x0  }
0x24: {  	s3 =	sadd.s32 $0x88, s3;
	s6 =	simm.s32 @!p1 $0x1082;
	[sflag:s4] =	ssyncset.s32 $0xFFFFF086  }
0x25: {  	[simem:s6], [sflag:s4] =	dma.local [hbm:s3], $0xF7A  }
0x26: {  	[smem:$0x3F99] =	sst s1;
	(tag) =	ssettag s2;
	_ =	strace s9  }
0x27: {  	s1 =	sld [smem:$0x3FA9]  }
0x28: {  	s2 =	sld [smem:$0x3FAA]  }
0x29: {  	s4 =	sld [smem:$0x3FAC]  }
0x2a: {  	p0 =	seq.s32 s5, $0x0;
	s5 =	sld [smem:$0x3FAD]  }
0x2b: {  	s6 =	sld [smem:$0x3FAE]  }
0x2c: {  	s7 =	sld [smem:$0x3FAF]  }
0x2d: {  	s3 =	simm.s32 $0x108;
	s8 =	sld [smem:$0x3FB0]  }
0x2e: {  	s3 =	simm.s32 @!p0 $0x1082;
	s9 =	sld [smem:$0x3FB1]  }
0x2f: {  	lr =	sadd.s32 s0, s3;
	s0 =	sld [smem:$0x3FA8]  }
0x30: {  	s3 =	sld [smem:$0x3FAB]  }
0x31: {  	[smem:$0x3FB4] =	sst s10  }
0x32: {  	s10 =	sld [smem:$0x3FB2];
	_ =	sdelay $0x3  }
0x33: {  	p0 =	seq.s32 s10, $0x1;
	s10 =	sld [smem:$0x3FB4];
	_ =	sdelay $0x3  }
0x34: {  	[smem:$0x3FB4] =	sst s10  }
0x35: {  	s10 =	sld [smem:$0x3FB3];
	_ =	sdelay $0x3  }
0x36: {  	p1 =	seq.s32 s10, $0x1;
	s10 =	sld [smem:$0x3FB4];
	_ =	sdelay $0x3  }
0x37: {  	[smem:$0x3FB4] =	sst s10  }
0x38: {  	s10 =	sld [smem:$0x3FB5]  }
0x39: {  	_ = 	snop;
	(pc) =	sbr.ind lr, $3  }
0x3a: {  	_ = 	snop  }
0x3b: {  	_ = 	snop  }
0x3c: {  	p2 =	seq.s32 s10, $0x1;
	s10 =	sld [smem:$0x3FB4]  }
0x3d: {  	_ =	shalt  }
0x3e: {  	_ =	shalt  }
0x3f: {  	_ =	shalt  }
0x40: {  	_ =	shalt  }
0x41: {  	_ =	shalt  }
0x42: {  	_ =	shalt  }
0x43: {  	_ =	shalt  }
0x44: {  	_ =	shalt  }
0x45: {  	_ =	shalt  }
0x46: {  	_ =	shalt  }
0x47: {  	_ =	shalt  }
0x48: {  	_ =	shalt  }
0x49: {  	_ =	shalt  }
0x4a: {  	_ =	shalt  }
0x4b: {  	_ =	shalt  }
0x4c: {  	_ =	shalt  }
0x4d: {  	_ =	shalt  }
0x4e: {  	_ =	shalt  }
0x4f: {  	_ =	shalt  }
0x50: {  	_ =	shalt  }
0x51: {  	_ =	shalt  }
0x52: {  	_ =	shalt  }
0x53: {  	_ =	shalt  }
0x54: {  	_ =	shalt  }
0x55: {  	_ =	shalt  }
0x56: {  	_ =	shalt  }
0x57: {  	_ =	shalt  }
0x58: {  	_ =	shalt  }
0x59: {  	_ =	shalt  }
0x5a: {  	_ =	shalt  }
0x5b: {  	_ =	shalt  }
0x5c: {  	_ =	shalt  }
0x5d: {  	_ =	shalt  }
0x5e: {  	_ =	shalt  }
0x5f: {  	_ =	shalt  }
0x60: {  	_ =	shalt  }
0x61: {  	_ =	shalt  }
0x62: {  	_ =	shalt  }
0x63: {  	_ =	shalt  }
0x64: {  	_ =	shalt  }
0x65: {  	_ =	shalt  }
0x66: {  	_ =	shalt  }
0x67: {  	_ =	shalt  }
0x68: {  	_ =	shalt  }
0x69: {  	_ =	shalt  }
0x6a: {  	_ =	shalt  }
0x6b: {  	_ =	shalt  }
0x6c: {  	_ =	shalt  }
0x6d: {  	_ =	shalt  }
0x6e: {  	_ =	shalt  }
0x6f: {  	_ =	shalt  }
0x70: {  	_ =	shalt  }
0x71: {  	_ =	shalt  }
0x72: {  	_ =	shalt  }
0x73: {  	_ =	shalt  }
0x74: {  	_ =	shalt  }
0x75: {  	_ =	shalt  }
0x76: {  	_ =	shalt  }
0x77: {  	_ =	shalt  }
0x78: {  	_ =	shalt  }
0x79: {  	_ =	shalt  }
0x7a: {  	_ =	shalt  }
0x7b: {  	_ =	shalt  }
0x7c: {  	_ =	shalt  }
0x7d: {  	_ =	shalt  }
0x7e: {  	_ =	shalt  }
0x7f: {  	_ =	shalt  }
0x80: {  	_ =	shalt  }
0x81: {  	_ =	shalt  }
0x82: {  	_ =	shalt  }
0x83: {  	_ =	shalt  }
0x84: {  	_ =	shalt  }
0x85: {  	_ =	shalt  }
0x86: {  	_ =	shalt  }
0x87: {  	_ =	shalt  }
.Lfunc_end0:
.L_simem_size_0:
called_computation_lowered:
.L_overlay_start_0:
0x88: {  	s2 =	sld [smem:$0x3FD9]  }
0x89: {  	s3 =	sld [smem:$0x3FFE];
	_ =	sdelay $0x1  }
0x8a: {  	s1 =	srdreg.scid  }
0x8b: {  	s0 =	sand.u32 $0x1, s1  }
0x8c: {  	s14 =	sshll.u32 s0, $0xA;
	s2 =	sadd.s32 s3, s2  }
0x8d: {  	s2 =	sadd.s32 s2, s14  }
0x8e: {  	[smem:$0x3FC0] =	sst s2  }
0x8f: {  	_ = 	snop  }
0x90: {  	s2 =	sld [smem:$0x3FD0];
	_ =	sdelay $0x2  }
0x91: {  	s15 =	simm.s32 $0xA;
	s4 =	simm.s32 $0x10  }
0x92: {  	[smem:s4], [sflag:s15] =	dma.local [hbm:s2], $0x1  }
0x93: {  	_ =	swait.eq [sflag:s15], $0x1  }
0x94: {  	s16 =	sld [smem:$0x10];
	[sflag:s15] =	ssyncset.done $0x0  }
0x95: {  	s17 =	sld [smem:$0x11];
	[sflag:s15] =	ssyncadd.s32 $0xFFFFFFFF  }
0x96: {  	s18 =	sld [smem:$0x12];
	(tm) =	ssettm $0x1  }
0x97: {  	s5 =	sld [smem:$0x3FFB];
	_ =	sdelay $0x3  }
0x98: {  	_ =	strace s5  }
0x99: {  	s5 =	sld [smem:$0x3FFC];
	_ =	sdelay $0x3  }
0x9a: {  	_ =	strace s5  }
0x9b: {  	s5 =	sld [smem:$0x3FFD];
	_ =	sdelay $0x3  }
0x9c: {  	_ =	strace s5  }
0x9d: {  	_ =	strace $0x8FFFFFFF  }
0x9e: {  	s19 =	sld [smem:$0x3FDB];
	_ =	sdelay $0x1  }
0x9f: {  	s6 =	simm.s32 $_scs_section_size  }
0xa0: {  	s7 =	simm.s32 $_size__tile_overlayer_lowered;
	s8 =	simm.s32 $_tile_overlayer_lowered  }
0xa1: {  	s22 =	simm.s32 $0x1BFF;
	s21 =	sshll.u32 s8, $0x1;
	s5 =	sadd.s32 s6, s19  }
0xa2: {  	s9 =	simm.s32 $0x0;
	s20 =	sshll.u32 s7, $0x1;
	s7 =	sadd.s32 s21, s5  }
0xa3: {  	[timem:s9], [sflag:s22] =	dma.local [hbm:s7], s20  }
0xa4: {  	_ =	swait.ge [sflag:s22], s20  }
0xa5: {  	s6 =	ssub.s32 $0x0, s20;
	[sflag:s22] =	ssyncset.done $0x0  }
0xa6: {  	[sflag:s22] =	ssyncadd.s32 s6;
	_ =	sdelay $0x1  }
0xa7: {  	s23 =	simm.s32 $0x1B8B  }
0xa8: {  	_ =	swait.ge [sflag:s23], $0x1  }
0xa9: {  	[sflag:s23] =	ssyncset.done $0x0  }
0xaa: {  	s25 =	simm.s32 $0x1B8E;
	s24 =	sld [smem:$0x3FFE];
	[sflag:s23] =	ssyncadd.s32 $0xFFFFFFFF  }
0xab: {  	s26 =	simm.s32 $execute0_lowered;
	[smem:$0x3FD2] =	sst s25  }
0xac: {  	s7 =	sshll.u32 s26, $0x1;
	_ =	strace $0x80000046;
	[dreg:$0x1] =	wrdreg $0xFFFFFFFF  }
0xad: {  	s28 =	simm.s32 $_size_execute0_lowered;
	s5 =	sadd.s32 s5, s7;
	[dreg:$0x0] =	wrdreg $0x0  }
0xae: {  	s7 =	sshll.u32 s28, $0x1;
	[dreg:$0x2] =	wrdreg s5  }
0xaf: {  	[dreg:$0x3] =	wrdreg s7  }
0xb0: {  	[dreg:$0x4] =	wrdreg $0xC0  }
0xb1: {  	_ =	task [dreg:s9], $0x5FFFF  }
0xb2: {  	[dreg:$0x1] =	wrdreg $0xFFFFFFFF  }
0xb3: {  	[dreg:$0x0] =	wrdreg $0x60  }
0xb4: {  	[dreg:$0x2] =	wrdreg s18  }
0xb5: {  	[dreg:$0x3] =	wrdreg s16  }
0xb6: {  	[dreg:$0x4] =	wrdreg s24  }
0xb7: {  	[dreg:$0x5] =	wrdreg s17  }
0xb8: {  	[dreg:$0x6] =	wrdreg $0x19FA00  }
0xb9: {  	[dreg:$0x7] =	wrdreg $0x1A2180  }
0xba: {  	[dreg:$0x8] =	wrdreg $0x1A4900  }
0xbb: {  	[dreg:$0x9] =	wrdreg $0x1A7080  }
0xbc: {  	[dreg:$0xa] =	wrdreg $0x9  }
0xbd: {  	_ =	task.clear_ibuf [dreg:s9], $0xBFFFF;
	_ =	strace $0x90000046  }
0xbe: {  	s29 =	simm.s32 $0x9;
	_ =	strace $0x80000048  }
0xbf: {  	_ =	swait.ge [sflag:s29], $0x1  }
0xc0: {  	[sflag:s29] =	ssyncadd.s32 $0xFFFFFFFF  }
0xc1: {  	_ =	strace $0x90000048  }
0xc2: {  	_ =	sfence  }
0xc3: {  	s30 =	sld [smem:$0x0];
	_ =	sdelay $0x2  }
0xc4: {  	s31 =	sshll.u32 s1, $0xD;
	s1 =	sshrl.u32 s1, $0x2  }
0xc5: {  	s3 =	sand.u32 $0x4000, s31;
	s1 =	sadd.s32 s1, s30  }
0xc6: {  	s0 =	sor.u32 s3, s0;
	s1 =	sshll.u32 s1, $0x11  }
0xc7: {  	s0 =	sor.u32 s1, s0  }
0xc8: {  	s0 =	sadd.s32 $0x8F2B, s0  }
0xc9: {  	[sflag:s0] =	ssyncadd.remote.s32 $0x1  }
0xca: {  	_ =	sfence.sel $0xFFFF  }
0xcb: {  	[dreg:$0x0] =	wrdreg $0xFFFFFFFF;
	(pc) =	sbr.abs _section_cstart, $3  }
0xcc: {  	[dreg:$0x1] =	wrdreg $0xFFFFFFFF  }
0xcd: {  	_ =	task.clear_ibuf [dreg:s9], $0x2FFFF;
	_ =	strace $0x9FFFFFFF  }
0xce: {  	(tm) =	ssettm $0x7FFFFFFF  }
0xcf: {  	_ =	shalt  }
tec
execute0_lowered:
.L_overlay_start_1:
0x0: {  	(tag) =	ssettag $0x1  }
0x1: {  	s0 =	rddreg [dreg:$0x0]  }
0x2: {  	s1 =	rddreg [dreg:$0x1]  }
0x3: {  	s2 =	rddreg [dreg:$0x2]  }
0x4: {  	s8 =	simm.s32 $0x0;
	s3 =	srdreg.scid;
	s4 =	stileid.u32  }
0x5: {  	s17 =	simm.s32 $0xF0;
	s28 =	simm.s32 $0x19960;
	s29 =	simm.s32 $0x19AF0  }
0x6: {  	s30 =	simm.s32 $0x19C80;
	s31 =	simm.s32 $0x19E10;
	s13 =	simm.s32 $0x0  }
0x7: {  	[smem:$0x7FF] =	sst s8;
	s9 =	sadd.s32 $0x1400, s2;
	s6 =	sadd.s32 $0x59600, s2  }
0x8: {  	s7 =	sadd.s32 $0x5AA00, s2;
	_ =	strace $0x80000047;
	[dreg:$0x9] =	wrdreg s6  }
0x9: {  	s10 =	sadd.s32 $0xB200, s2;
	s21 =	sadd.s32 $0x59AE2, s2;
	[dreg:$0xa] =	wrdreg s7  }
0xa: {  	s3 =	sand.u32 $0x1, s3;
	s22 =	sadd.s32 $0x59FC4, s2;
	[dreg:$0xb] =	wrdreg s21  }
0xb: {  	s11 =	sadd.s32 $0x32400, s2;
	s23 =	sadd.s32 $0x5A4A6, s2;
	[dreg:$0xc] =	wrdreg s22  }
0xc: {  	p0 =	seq.s32 s4, $0x0;
	s24 =	sadd.s32 $0x5AEE2, s2;
	[dreg:$0xd] =	wrdreg s23  }
0xd: {  	s25 =	sadd.s32 $0x5B3C4, s2;
	s2 =	sadd.s32 $0x5B8A6, s2;
	[dreg:$0xe] =	wrdreg s24  }
0xe: {  	s5 =	sshll.u32 s3, $0x4;
	s18 =	ssub.s32 $0x2, s3;
	[dreg:$0xf] =	wrdreg s25  }
0xf: {  	s20 =	sor.u32 s3, s4;
	p1 =	seq.s32 s3, $0x1;
	[dreg:$0x10] =	wrdreg s2  }
0x10: {  	s24 =	simm.s32 $0x3;
	s25 =	simm.s32 $0x190;
	s21 =	simm.s32 $0x140  }
0x11: {  	s22 =	simm.s32 $0xA320;
	s3 =	simm.s32 $0x2D0;
	s7 =	simm.s32 $0x19320  }
0x12: {  	s5 =	sor.u32 s4, s5;
	s19 =	sshrl.u32 s18, $0x1;
	p0 =	por !p0, !p1  }
0x13: {  	p2 =	sne.s32 s20, $0x0;
	s20 =	simm.s32 $0x14320;
	s14 =	smul.u32 $0x2710, s5  }
0x14: {  	s6 =	ssub.s32 s18, s19;
	s15 =	smul.u32 $0x19, s5;
	p1 =	por !p0, !p0  }
0x15: {  	p0 =	sne.s32 s4, $0x0;
	s18 =	simm.s32 $0x7B20;
	s19 =	simm.s32 $0x280  }
0x16: {  	s4 =	simm.s32 $0x16B20;
	s5 =	simm.s32 $0x1;
	s26 =	smax.u32 s6, $0x1  }
0x17: {  	v0 =	vimm.f32 $0.0e+00;
	s6 =	simm.s32 $0x2;
	[dreg:$0x11] =	wrdreg s26;
	s26 =	simm.s32 $0x50  }
.LBB2_1:
.Ltmp0:
0x18: {  	(pc) =	sbr.rel @p0 .LBB2_5-.Ltmp0, $1  }
0x19: {  	_ =	sdelay $0x3  }
0x1a: {  	s2 =	simm.s32 $0x40;
	s12 =	simm.s32 $0x0  }
.LBB2_3:
0x1b: {  	p3 =	sne.s32 s2, $0x9C00;
	[tilespmem:s12+$0x1A980] =	vst v0;
	s12 =	smov.u32 s2;
	s2 =	sadd.s32 $0x40, s2  }
.Ltmp1:
0x1c: {  	(pc) =	sbr.rel @p3 .LBB2_3-.Ltmp1, $2  }
0x1d: {  	_ =	sdelay $0x2  }
0x1e: {  	s12 =	sshra.s32 s12, $0x2  }
0x1f: {  	[tilespmem:s12+$0x1A980] =	vst v0;
	s2 =	rddreg [dreg:$0x4];
	s12 =	simm.s32 $0x1A980  }
0x20: {  	[spmem:s2] =	stream.linear.scatter [tilespmem:s12], [sflag:$0x3], $0x2710, $0x38;
	[tilespmem:$0x1D090] =	vst v63  }
0x21: {  	_ =	swait.ge [sflag:s24], $0x2710  }
0x22: {  	[sflag:s24] =	ssyncset.done $0x0  }
0x23: {  	[sflag:s24] =	ssyncadd.s32 $0xFFFFD8F0  }
0x24: {  	s23 =	rddreg [dreg:$0x5]  }
0x25: {  	[spmem:s23] =	stream.linear.scatter [tilespmem:s12], [sflag:$0x3], $0x2710, $0x38;
	[tilespmem:$0x1D090] =	vst v63  }
0x26: {  	_ =	swait.ge [sflag:s24], $0x2710  }
0x27: {  	[sflag:s24] =	ssyncset.done $0x0  }
0x28: {  	[sflag:s24] =	ssyncadd.s32 $0xFFFFD8F0  }
0x29: {  	s16 =	rddreg [dreg:$0x6]  }
0x2a: {  	[spmem:s16] =	stream.linear.scatter [tilespmem:s12], [sflag:$0x3], $0x2710, $0x38;
	[tilespmem:$0x1D090] =	vst v63  }
0x2b: {  	_ =	swait.ge [sflag:s24], $0x2710  }
0x2c: {  	[sflag:s24] =	ssyncset.done $0x0  }
0x2d: {  	[sflag:s24] =	ssyncadd.s32 $0xFFFFD8F0  }
0x2e: {  	s23 =	rddreg [dreg:$0x7]  }
0x2f: {  	[spmem:s23] =	stream.linear.scatter [tilespmem:s12], [sflag:$0x3], $0x2710, $0x38;
	[tilespmem:$0x1D090] =	vst v63  }
0x30: {  	_ =	swait.ge [sflag:s24], $0x2710  }
0x31: {  	[sflag:s24] =	ssyncset.done $0x0  }
0x32: {  	[sflag:s24] =	ssyncadd.s32 $0xFFFFD8F0  }
.LBB2_5:
0x33: {  	[dreg:$0x12] =	wrdreg s13  }
0x34: {  	s2 =	simm.s32 $0x0;
	s23 =	simm.s32 $0x0;
	[bflag:$0x0] =	sbarrier.arrive $0xFFFF  }
.LBB2_6:
0x35: {  	s12 =	smul.u32 $0x190, s23;
	_ =	sdelay $0x1  }
0x36: {  	s12 =	sadd.s32 s14, s12  }
0x37: {  	s12 =	sshrl.u32 s12, $0x3  }
0x38: {  	s13 =	sadd.s32 s9, s12  }
0x39: {  	[tilespmem:s2], [sflag:$0x3] =	stream.linear.gather [hbm4b:s13+s2], $0x190, $0x38;
	[tilespmem:$0x1D090] =	vst v63  }
0x3a: {  	_ =	swait.ge [sflag:s24], $0x190  }
0x3b: {  	[sflag:s24] =	ssyncset.done $0x0  }
0x3c: {  	[sflag:s24] =	ssyncadd.s32 $0xFFFFFE70  }
0x3d: {  	s16 =	rddreg [dreg:$0x3]  }
0x3e: {  	s12 =	sadd.s32 s16, s12  }
0x3f: {  	[tilespmem:s25], [sflag:$0x3] =	stream.linear.gather [hbm4b:s12+s2], $0x190, $0x38;
	[tilespmem:$0x1D090] =	vst v63  }
0x40: {  	_ =	swait.ge [sflag:s24], $0x190  }
0x41: {  	[sflag:s24] =	ssyncset.done $0x0  }
0x42: {  	s16 =	simm.s32 $0x320;
	[sflag:s24] =	ssyncadd.s32 $0xFFFFFE70  }
0x43: {  	[tilespmem:s16], [sflag:$0x1] =	stream.indirect.gather [hbm4b:s0+s26], $0x80, s2, s26, $0xb8;
	[tilespmem:$0x1D090] =	vst v63  }
0x44: {  	s13 =	simm.s32 $0xCB20  }
0x45: {  	[tilespmem:s13], [sflag:$0x2] =	stream.indirect.gather [hbm4b:s1+s26], $0x80, s25, s26, $0xb8;
	[tilespmem:$0x1D090] =	vst v63  }
0x46: {  	s16 =	simm.s32 $0x2B20  }
0x47: {  	[tilespmem:s16], [sflag:$0x1] =	stream.indirect.gather [hbm4b:s0+s26], $0x80, s26, s26, $0xb8;
	[tilespmem:$0x1D090] =	vst v63  }
0x48: {  	s13 =	simm.s32 $0x1E0;
	s16 =	simm.s32 $0xF320  }
0x49: {  	[tilespmem:s16], [sflag:$0x2] =	stream.indirect.gather [hbm4b:s1+s26], $0x80, s13, s26, $0xb8;
	[tilespmem:$0x1D090] =	vst v63  }
0x4a: {  	s13 =	simm.s32 $0xA0;
	s16 =	simm.s32 $0x5320  }
0x4b: {  	[tilespmem:s16], [sflag:$0x1] =	stream.indirect.gather [hbm4b:s0+s26], $0x80, s13, s26, $0xb8;
	[tilespmem:$0x1D090] =	vst v63  }
0x4c: {  	s13 =	simm.s32 $0x230;
	s16 =	simm.s32 $0x11B20  }
0x4d: {  	[tilespmem:s16], [sflag:$0x2] =	stream.indirect.gather [hbm4b:s1+s26], $0x80, s13, s26, $0xb8;
	[tilespmem:$0x1D090] =	vst v63  }
0x4e: {  	_ = 	snop  }
0x4f: {  	[tilespmem:s18], [sflag:$0x1] =	stream.indirect.gather [hbm4b:s0+s26], $0x80, s17, s26, $0xb8;
	[tilespmem:$0x1D090] =	vst v63  }
0x50: {  	_ = 	snop  }
0x51: {  	[tilespmem:s20], [sflag:$0x2] =	stream.indirect.gather [hbm4b:s1+s26], $0x80, s19, s26, $0xb8;
	[tilespmem:$0x1D090] =	vst v63  }
0x52: {  	_ = 	snop  }
0x53: {  	[tilespmem:s22], [sflag:$0x1] =	stream.indirect.gather [hbm4b:s0+s26], $0x80, s21, s26, $0xb8;
	[tilespmem:$0x1D090] =	vst v63  }
0x54: {  	_ = 	snop  }
0x55: {  	[tilespmem:s4], [sflag:$0x2] =	stream.indirect.gather [hbm4b:s1+s26], $0x80, s3, s26, $0xb8;
	[tilespmem:$0x1D090] =	vst v63  }
0x56: {  	_ =	swait.ge [sflag:s5], $0x2800  }
0x57: {  	[sflag:s5] =	ssyncset.done $0x0  }
0x58: {  	[sflag:s5] =	ssyncadd.s32 $0xFFFFD800  }
0x59: {  	_ =	swait.ge [sflag:s6], $0x2800  }
0x5a: {  	[sflag:s6] =	ssyncset.done $0x0  }
0x5b: {  	[sflag:s6] =	ssyncadd.s32 $0xFFFFD800  }
0x5c: {  	_ =	swait.ge [sflag:s5], $0x2800  }
0x5d: {  	[sflag:s5] =	ssyncset.done $0x0  }
0x5e: {  	[sflag:s5] =	ssyncadd.s32 $0xFFFFD800  }
0x5f: {  	_ =	swait.ge [sflag:s6], $0x2800  }
0x60: {  	[sflag:s6] =	ssyncset.done $0x0  }
0x61: {  	[sflag:s6] =	ssyncadd.s32 $0xFFFFD800  }
0x62: {  	_ =	swait.ge [sflag:s5], $0x2800  }
0x63: {  	[sflag:s5] =	ssyncset.done $0x0  }
0x64: {  	[sflag:s5] =	ssyncadd.s32 $0xFFFFD800  }
0x65: {  	_ =	swait.ge [sflag:s6], $0x2800  }
0x66: {  	[sflag:s6] =	ssyncset.done $0x0  }
0x67: {  	[sflag:s6] =	ssyncadd.s32 $0xFFFFD800  }
0x68: {  	_ =	swait.ge [sflag:s5], $0x2800  }
0x69: {  	[sflag:s5] =	ssyncset.done $0x0  }
0x6a: {  	[sflag:s5] =	ssyncadd.s32 $0xFFFFD800  }
0x6b: {  	_ =	swait.ge [sflag:s6], $0x2800  }
0x6c: {  	[sflag:s6] =	ssyncset.done $0x0  }
0x6d: {  	[sflag:s6] =	ssyncadd.s32 $0xFFFFD800  }
0x6e: {  	_ =	swait.ge [sflag:s5], $0x2800  }
0x6f: {  	[sflag:s5] =	ssyncset.done $0x0  }
0x70: {  	[sflag:s5] =	ssyncadd.s32 $0xFFFFD800  }
0x71: {  	_ =	swait.ge [sflag:s6], $0x2800  }
0x72: {  	[sflag:s6] =	ssyncset.done $0x0  }
0x73: {  	[sflag:s6] =	ssyncadd.s32 $0xFFFFD800  }
0x74: {  	v1 =	vld [tilespmem:$0x320];
	_ =	sdelay $0x4  }
0x75: {  	v1 =	vmul.f32 $1.000000050e-03, v1  }
0x76: {  	s12 =	simm.s32 $0x0  }
0x77: {  	[tilespmem:s12+$0x19320] =	vst v1  }
0x78: {  	[tilespmem:s12+$0x19960] =	vst v1  }
0x79: {  	v1 =	vld [tilespmem:$0x330];
	_ =	sdelay $0x4  }
0x7a: {  	v1 =	vmul.f32 $1.000000050e-03, v1;
	_ =	sdelay $0x1  }
0x7b: {  	[tilespmem:s12+$0x194B0] =	vst v1  }
0x7c: {  	[tilespmem:s12+$0x19AF0] =	vst v1  }
0x7d: {  	v1 =	vld [tilespmem:$0x340];
	_ =	sdelay $0x4  }
0x7e: {  	v1 =	vmul.f32 $1.000000050e-03, v1;
	_ =	sdelay $0x1  }
0x7f: {  	[tilespmem:s12+$0x19640] =	vst v1  }
0x80: {  	[tilespmem:s12+$0x19C80] =	vst v1  }
0x81: {  	s13 =	simm.s32 $0x40;
	v1 =	vld [tilespmem:$0x350]  }
.LBB2_7:
0x82: {  	_ =	sdelay $0x2  }
0x83: {  	p3 =	sne.s32 s13, $0x600;
	s16 =	smov.u32 s13;
	s13 =	sadd.s32 $0x40, s13  }
0x84: {  	v1 =	vmul.f32 $1.000000050e-03, v1;
	_ =	sdelay $0x1  }
0x85: {  	[tilespmem:s12+$0x197D0] =	vst v1  }
0x86: {  	[tilespmem:s12+$0x19E10] =	vst v1  }
0x87: {  	v1 =	vld [tilespmem:$0x320];
	_ =	sdelay $0x4  }
0x88: {  	v1 =	vmul.f32 $1.000000050e-03, v1  }
0x89: {  	s12 =	sshra.s32 s16, $0x2  }
0x8a: {  	[tilespmem:s12+$0x19320] =	vst v1  }
0x8b: {  	[tilespmem:s12+$0x19960] =	vst v1  }
0x8c: {  	v1 =	vld [tilespmem:$0x330];
	_ =	sdelay $0x4  }
0x8d: {  	v1 =	vmul.f32 $1.000000050e-03, v1;
	_ =	sdelay $0x1  }
0x8e: {  	[tilespmem:s12+$0x194B0] =	vst v1  }
0x8f: {  	[tilespmem:s12+$0x19AF0] =	vst v1  }
0x90: {  	v1 =	vld [tilespmem:$0x340];
	_ =	sdelay $0x4  }
.Ltmp2:
0x91: {  	v1 =	vmul.f32 $1.000000050e-03, v1;
	(pc) =	sbr.rel @p3 .LBB2_7-.Ltmp2, $4  }
0x92: {  	_ = 	snop  }
0x93: {  	[tilespmem:s12+$0x19640] =	vst v1  }
0x94: {  	[tilespmem:s12+$0x19C80] =	vst v1  }
0x95: {  	v1 =	vld [tilespmem:$0x350]  }
0x96: {  	_ =	sdelay $0x3  }
0x97: {  	s13 =	sadd.s32 s15, s23;
	v1 =	vmul.f32 $1.000000050e-03, v1  }
0x98: {  	s13 =	smul.u32 $0xC8, s13  }
0x99: {  	[tilespmem:s12+$0x197D0] =	vst v1  }
0x9a: {  	s16 =	sadd.s32 s10, s13;
	[tilespmem:s12+$0x19E10] =	vst v1  }
0x9b: {  	[hbm4b:s16+s8] =	stream.linear.scatter [tilespmem:s7], [sflag:$0x3], $0x640, $0x38;
	[tilespmem:$0x1D090] =	vst v63  }
0x9c: {  	_ =	swait.ge [sflag:s24], $0x640  }
0x9d: {  	[sflag:s24] =	ssyncset.done $0x0  }
0x9e: {  	s16 =	sadd.s32 s11, s13;
	[sflag:s24] =	ssyncadd.s32 $0xFFFFF9C0  }
0x9f: {  	[hbm4b:s16+s8] =	stream.linear.scatter [tilespmem:s28], [sflag:$0x3], $0x640, $0x38;
	[tilespmem:$0x1D090] =	vst v63  }
0xa0: {  	_ =	swait.ge [sflag:s24], $0x640  }
0xa1: {  	[sflag:s24] =	ssyncset.done $0x0  }
0xa2: {  	[sflag:s24] =	ssyncadd.s32 $0xFFFFF9C0  }
0xa3: {  	s13 =	rddreg [dreg:$0x4]  }
0xa4: {  	[spmem:s13] =	stream.indirect.scatter.add.f32 [tilespmem:s28], [sflag:$0x3], $0x1, s8, s25, $0xb8;
	[tilespmem:$0x1D090] =	vst v63  }
0xa5: {  	_ =	swait.ge [sflag:s24], $0x190  }
0xa6: {  	[sflag:s24] =	ssyncset.done $0x0  }
0xa7: {  	[sflag:s24] =	ssyncadd.s32 $0xFFFFFE70  }
0xa8: {  	s16 =	rddreg [dreg:$0x5]  }
0xa9: {  	[spmem:s16] =	stream.indirect.scatter.add.f32 [tilespmem:s29], [sflag:$0x3], $0x1, s8, s25, $0xb8;
	[tilespmem:$0x1D090] =	vst v63  }
0xaa: {  	_ =	swait.ge [sflag:s24], $0x190  }
0xab: {  	[sflag:s24] =	ssyncset.done $0x0  }
0xac: {  	[sflag:s24] =	ssyncadd.s32 $0xFFFFFE70  }
0xad: {  	s13 =	rddreg [dreg:$0x6]  }
0xae: {  	[spmem:s13] =	stream.indirect.scatter.add.f32 [tilespmem:s30], [sflag:$0x3], $0x1, s8, s25, $0xb8;
	[tilespmem:$0x1D090] =	vst v63  }
0xaf: {  	_ =	swait.ge [sflag:s24], $0x190  }
0xb0: {  	s23 =	sadd.s32 $0x1, s23;
	[sflag:s24] =	ssyncset.done $0x0  }
0xb1: {  	p3 =	sne.s32 s23, $0x19;
	[sflag:s24] =	ssyncadd.s32 $0xFFFFFE70  }
.Ltmp3:
0xb2: {  	s16 =	rddreg [dreg:$0x7];
	(pc) =	sbr.rel @p3 .LBB2_6-.Ltmp3, $4  }
0xb3: {  	[spmem:s16] =	stream.indirect.scatter.add.f32 [tilespmem:s31], [sflag:$0x3], $0x1, s8, s25, $0xb8;
	[tilespmem:$0x1D090] =	vst v63  }
0xb4: {  	_ =	swait.ge [sflag:s24], $0x190  }
0xb5: {  	[sflag:s24] =	ssyncset.done $0x0  }
0xb6: {  	[sflag:s24] =	ssyncadd.s32 $0xFFFFFE70  }
0xb7: {  	[bflag:$0x0] =	sbarrier.arrive $0xFFFF  }
0xb8: {  	s2 =	simm.s32 @!p2 $0x1A980;
	s12 =	rddreg [dreg:$0x4]  }
0xb9: {  	[tilespmem:s2], [sflag:$0x3] =	stream.linear.gather @!p2 [spmem:s12], $0x2710, $0x38;
	[tilespmem:$0x1D090] =	vst v63  }
0xba: {  	s12 =	simm.s32 @!p2 $0x3  }
0xbb: {  	_ =	swait.ge @!p2 [sflag:s12], $0x2710  }
0xbc: {  	[sflag:s12] =	ssyncset.done @!p2 $0x0  }
0xbd: {  	s13 =	simm.s32 @!p2 $0x0;
	s16 =	rddreg [dreg:$0x9];
	[sflag:s12] =	ssyncadd.s32 @!p2 $0xFFFFD8F0  }
0xbe: {  	[hbm4b:s16+s13] =	stream.linear.scatter @!p2 [tilespmem:s2], [sflag:$0x3], $0x2710, $0x38;
	[tilespmem:$0x1D090] =	vst v63  }
0xbf: {  	_ =	swait.ge @!p2 [sflag:s12], $0x2710  }
0xc0: {  	[sflag:s12] =	ssyncset.done @!p2 $0x0  }
0xc1: {  	[sflag:s12] =	ssyncadd.s32 @!p2 $0xFFFFD8F0  }
0xc2: {  	s23 =	rddreg [dreg:$0x5]  }
0xc3: {  	[tilespmem:s2], [sflag:$0x3] =	stream.linear.gather @!p2 [spmem:s23], $0x2710, $0x38;
	[tilespmem:$0x1D090] =	vst v63  }
0xc4: {  	_ =	swait.ge @!p2 [sflag:s12], $0x2710  }
0xc5: {  	[sflag:s12] =	ssyncset.done @!p2 $0x0  }
0xc6: {  	s16 =	rddreg [dreg:$0xb];
	[sflag:s12] =	ssyncadd.s32 @!p2 $0xFFFFD8F0  }
0xc7: {  	[hbm4b:s16+s13] =	stream.linear.scatter @!p2 [tilespmem:s2], [sflag:$0x3], $0x2710, $0x38;
	[tilespmem:$0x1D090] =	vst v63  }
0xc8: {  	_ =	swait.ge @!p2 [sflag:s12], $0x2710  }
0xc9: {  	[sflag:s12] =	ssyncset.done @!p2 $0x0  }
0xca: {  	[sflag:s12] =	ssyncadd.s32 @!p2 $0xFFFFD8F0  }
0xcb: {  	s16 =	rddreg [dreg:$0x6]  }
0xcc: {  	[tilespmem:s2], [sflag:$0x3] =	stream.linear.gather @!p2 [spmem:s16], $0x2710, $0x38;
	[tilespmem:$0x1D090] =	vst v63  }
0xcd: {  	_ =	swait.ge @!p2 [sflag:s12], $0x2710  }
0xce: {  	[sflag:s12] =	ssyncset.done @!p2 $0x0  }
0xcf: {  	s16 =	rddreg [dreg:$0xc];
	[sflag:s12] =	ssyncadd.s32 @!p2 $0xFFFFD8F0  }
0xd0: {  	[hbm4b:s16+s13] =	stream.linear.scatter @!p2 [tilespmem:s2], [sflag:$0x3], $0x2710, $0x38;
	[tilespmem:$0x1D090] =	vst v63  }
0xd1: {  	_ =	swait.ge @!p2 [sflag:s12], $0x2710  }
0xd2: {  	[sflag:s12] =	ssyncset.done @!p2 $0x0  }
0xd3: {  	[sflag:s12] =	ssyncadd.s32 @!p2 $0xFFFFD8F0  }
0xd4: {  	s16 =	rddreg [dreg:$0x7]  }
0xd5: {  	[tilespmem:s2], [sflag:$0x3] =	stream.linear.gather @!p2 [spmem:s16], $0x2710, $0x38;
	[tilespmem:$0x1D090] =	vst v63  }
0xd6: {  	_ =	swait.ge @!p2 [sflag:s12], $0x2710  }
0xd7: {  	[sflag:s12] =	ssyncset.done @!p2 $0x0  }
0xd8: {  	s16 =	rddreg [dreg:$0xd];
	[sflag:s12] =	ssyncadd.s32 @!p2 $0xFFFFD8F0  }
0xd9: {  	[hbm4b:s16+s13] =	stream.linear.scatter @!p2 [tilespmem:s2], [sflag:$0x3], $0x2710, $0x38;
	[tilespmem:$0x1D090] =	vst v63  }
0xda: {  	_ =	swait.ge @!p2 [sflag:s12], $0x2710  }
0xdb: {  	[sflag:s12] =	ssyncset.done @!p2 $0x0  }
0xdc: {  	[sflag:s12] =	ssyncadd.s32 @!p2 $0xFFFFD8F0  }
0xdd: {  	s2 =	simm.s32 @p1 $0x1A980;
	s12 =	rddreg [dreg:$0x4]  }
0xde: {  	[tilespmem:s2], [sflag:$0x3] =	stream.linear.gather @p1 [spmem:s12], $0x2710, $0x38;
	[tilespmem:$0x1D090] =	vst v63  }
0xdf: {  	s12 =	simm.s32 @p1 $0x3  }
0xe0: {  	_ =	swait.ge @p1 [sflag:s12], $0x2710  }
0xe1: {  	[sflag:s12] =	ssyncset.done @p1 $0x0  }
0xe2: {  	s13 =	simm.s32 @p1 $0x0;
	s16 =	rddreg [dreg:$0xa];
	[sflag:s12] =	ssyncadd.s32 @p1 $0xFFFFD8F0  }
0xe3: {  	[hbm4b:s16+s13] =	stream.linear.scatter @p1 [tilespmem:s2], [sflag:$0x3], $0x2710, $0x38;
	[tilespmem:$0x1D090] =	vst v63  }
0xe4: {  	_ =	swait.ge @p1 [sflag:s12], $0x2710  }
0xe5: {  	[sflag:s12] =	ssyncset.done @p1 $0x0  }
0xe6: {  	[sflag:s12] =	ssyncadd.s32 @p1 $0xFFFFD8F0  }
0xe7: {  	[tilespmem:s2], [sflag:$0x3] =	stream.linear.gather @p1 [spmem:s23], $0x2710, $0x38;
	[tilespmem:$0x1D090] =	vst v63  }
0xe8: {  	_ =	swait.ge @p1 [sflag:s12], $0x2710  }
0xe9: {  	[sflag:s12] =	ssyncset.done @p1 $0x0  }
0xea: {  	s16 =	rddreg [dreg:$0xe];
	[sflag:s12] =	ssyncadd.s32 @p1 $0xFFFFD8F0  }
0xeb: {  	[hbm4b:s16+s13] =	stream.linear.scatter @p1 [tilespmem:s2], [sflag:$0x3], $0x2710, $0x38;
	[tilespmem:$0x1D090] =	vst v63  }
0xec: {  	_ =	swait.ge @p1 [sflag:s12], $0x2710  }
0xed: {  	[sflag:s12] =	ssyncset.done @p1 $0x0  }
0xee: {  	[sflag:s12] =	ssyncadd.s32 @p1 $0xFFFFD8F0  }
0xef: {  	s16 =	rddreg [dreg:$0x6]  }
0xf0: {  	[tilespmem:s2], [sflag:$0x3] =	stream.linear.gather @p1 [spmem:s16], $0x2710, $0x38;
	[tilespmem:$0x1D090] =	vst v63  }
0xf1: {  	_ =	swait.ge @p1 [sflag:s12], $0x2710  }
0xf2: {  	[sflag:s12] =	ssyncset.done @p1 $0x0  }
0xf3: {  	s16 =	rddreg [dreg:$0xf];
	[sflag:s12] =	ssyncadd.s32 @p1 $0xFFFFD8F0  }
0xf4: {  	[hbm4b:s16+s13] =	stream.linear.scatter @p1 [tilespmem:s2], [sflag:$0x3], $0x2710, $0x38;
	[tilespmem:$0x1D090] =	vst v63  }
0xf5: {  	_ =	swait.ge @p1 [sflag:s12], $0x2710  }
0xf6: {  	[sflag:s12] =	ssyncset.done @p1 $0x0  }
0xf7: {  	[sflag:s12] =	ssyncadd.s32 @p1 $0xFFFFD8F0  }
0xf8: {  	s16 =	rddreg [dreg:$0x7]  }
0xf9: {  	[tilespmem:s2], [sflag:$0x3] =	stream.linear.gather @p1 [spmem:s16], $0x2710, $0x38;
	[tilespmem:$0x1D090] =	vst v63  }
0xfa: {  	_ =	swait.ge @p1 [sflag:s12], $0x2710  }
0xfb: {  	[sflag:s12] =	ssyncset.done @p1 $0x0  }
0xfc: {  	s16 =	rddreg [dreg:$0x10];
	[sflag:s12] =	ssyncadd.s32 @p1 $0xFFFFD8F0  }
0xfd: {  	[hbm4b:s16+s13] =	stream.linear.scatter @p1 [tilespmem:s2], [sflag:$0x3], $0x2710, $0x38;
	[tilespmem:$0x1D090] =	vst v63  }
0xfe: {  	_ =	swait.ge @p1 [sflag:s12], $0x2710  }
0xff: {  	s16 =	rddreg [dreg:$0x12]  }
0x100: {  	s23 =	rddreg [dreg:$0x11];
	s13 =	sadd.s32 $0x1, s16  }
0x101: {  	p3 =	sne.s32 s13, s23  }
.Ltmp4:
0x102: {  	_ = 	snop;
	(pc) =	sbr.rel @p3 .LBB2_1-.Ltmp4, $3  }
0x103: {  	_ =	sdelay $0x1  }
0x104: {  	[sflag:s12] =	ssyncset.done @p1 $0x0  }
0x105: {  	[sflag:s12] =	ssyncadd.s32 @p1 $0xFFFFD8F0  }
0x106: {  	_ =	sfence.sel $0x180000  }
0x107: {  	[bflag:$0x0] =	sbarrier.arrive $0xFFFF  }
0x108: {  	_ =	strace $0x90000047  }
0x109: {  	[bflag:$0x2] =	sbarrier.arrive $0xFFFF  }
0x10a: {  	s0 =	rddreg [dreg:$0x8]  }
0x10b: {  	s0 =	sadd.s32 @!p0 $0x100000, s0  }
0x10c: {  	[sflag:s0] =	ssyncadd.tile.s32 @!p0 $0x1;
	_ =	shalt  }
.Lfunc_end2:
_tile_overlayer_lowered:
.L_overlay_start_2:
0x10d: {  	(tag) =	ssettag $0x2  }
0x10e: {  	s0 =	rddreg [dreg:$0x0];
	s2 =	stileid.u32  }
0x10f: {  	s1 =	rddreg [dreg:$0x1];
	p0 =	sne.s32 s2, $0x0  }
0x110: {  	s3 =	rddreg [dreg:$0x2];
	[bflag:$0x3] =	sbarrier.arrive $0xFFFF;
	s2 =	simm.s32 @!p0 $0x1C03  }
0x111: {  	[timem:s3], [sflag:s2] =	dma.local @!p0 [hbm:s0], s1  }
0x112: {  	s0 =	simm.s32 @!p0 $0x3  }
0x113: {  	_ =	swait.ge @!p0 [sflag:s0], s1  }
0x114: {  	s1 =	ssub.s32 @!p0 $0x0, s1;
	[sflag:s0] =	ssyncset.done @!p0 $0x0  }
0x115: {  	[sflag:s0] =	ssyncadd.s32 @!p0 s1  }
0x116: {  	[bflag:$0x3] =	sbarrier.arrive $0xFFFF  }
0x117: {  	_ =	shalt  }

// kernel: kernel.8.cloned.1.call-start
scs
__scs_entry_jumppad:
0x0: {  	(pc) =	sbr.rel $0x88, $3  }
0x1: {  	(tag) =	ssettag $0x0;
	lr =	simm.s32 $0x1  }
0x2: {  	[smem:$0x3F99] =	sst lr;
	_ =	strace $0xD0000000  }
0x3: {  	_ = 	snop  }
0x4: {  	_ = 	snop  }
0x5: {  	_ = 	snop  }
0x6: {  	_ = 	snop  }
0x7: {  	_ = 	snop  }
__scs_overlays_trampoline_lowered:
0x8: {  	[smem:$0x3FA8] =	sst s0  }
0x9: {  	[smem:$0x3FA9] =	sst s1  }
0xa: {  	[smem:$0x3FAA] =	sst s2  }
0xb: {  	[smem:$0x3FAB] =	sst s3  }
0xc: {  	[smem:$0x3FAC] =	sst s4  }
0xd: {  	[smem:$0x3FAD] =	sst s5  }
0xe: {  	[smem:$0x3FAE] =	sst s6  }
0xf: {  	[smem:$0x3FAF] =	sst s7  }
0x10: {  	[smem:$0x3FB0] =	sst s8  }
0x11: {  	[smem:$0x3FB1] =	sst s9;
	s0 =	simm.s32 @!p0 $0x0  }
0x12: {  	s1 =	sld [smem:$0x3F97];
	s0 =	simm.s32 @p0 $0x1  }
0x13: {  	[smem:$0x3FB2] =	sst s0;
	s0 =	simm.s32 @!p1 $0x0  }
0x14: {  	s2 =	sld [smem:$0x3F96];
	s0 =	simm.s32 @p1 $0x1  }
0x15: {  	[smem:$0x3FB3] =	sst s0;
	s0 =	simm.s32 @!p2 $0x0  }
0x16: {  	s3 =	sld [smem:$0x3FDB];
	s0 =	simm.s32 @p2 $0x1  }
0x17: {  	s4 =	simm.s32 $0x1BF5;
	[smem:$0x3FB5] =	sst s0  }
0x18: {  	s0 =	sld [smem:$0x3F98];
	_ =	swait.ge [sflag:s4], $0x0  }
0x19: {  	s7 =	sld [smem:$0x3F99]  }
0x1a: {  	s8 =	sadd.s32 $0xFFFFE003, lr  }
0x1b: {  	s9 =	sadd.s32 $0xFFFFFEF7, lr;
	s5 =	simm.s32 $0xFFFFFFFF;
	p2 =	slt.u32 s8, $0xFFFFF086  }
0x1c: {  	p1 =	slt.u32 s9, $0xF7A;
	s5 =	simm.s32 @!p2 $0x0  }
0x1d: {  	s5 =	simm.s32 @p1 $0x1;
	p0 =	seq.s32 s7, s2  }
0x1e: {  	s7 =	smul.u32 @!p0 $0xF7A, s2;
	p2 =	seq.s32 @!p0 s5, $0x0  }
0x1f: {  	s9 =	smul.u32 $0xF7A, s1;
	s8 =	simm.s32 @!p0 $0x1BF5;
	p2 =	por !p2, p0  }
0x20: {  	[sflag:s8] =	ssyncset.s32 @!p0 $0xFFFFF086;
	s6 =	sadd.s32 @!p0 s3, s7;
	s7 =	simm.s32 @!p0 $0x108  }
0x21: {  	s3 =	sadd.s32 s3, s9;
	s6 =	sadd.s32 @!p0 $0x88, s6;
	s7 =	simm.s32 @p2 $0x1082  }
0x22: {  	[simem:s7], [sflag:s8] =	dma.local @!p0 [hbm:s6], $0xF7A  }
0x23: {  	s9 =	sor.u32 $0xD0000000, s2;
	s6 =	simm.s32 $0x108;
	_ =	swait.ge @!p0 [sflag:s8], $0x0  }
0x24: {  	s3 =	sadd.s32 $0x88, s3;
	s6 =	simm.s32 @!p1 $0x1082;
	[sflag:s4] =	ssyncset.s32 $0xFFFFF086  }
0x25: {  	[simem:s6], [sflag:s4] =	dma.local [hbm:s3], $0xF7A  }
0x26: {  	[smem:$0x3F99] =	sst s1;
	(tag) =	ssettag s2;
	_ =	strace s9  }
0x27: {  	s1 =	sld [smem:$0x3FA9]  }
0x28: {  	s2 =	sld [smem:$0x3FAA]  }
0x29: {  	s4 =	sld [smem:$0x3FAC]  }
0x2a: {  	p0 =	seq.s32 s5, $0x0;
	s5 =	sld [smem:$0x3FAD]  }
0x2b: {  	s6 =	sld [smem:$0x3FAE]  }
0x2c: {  	s7 =	sld [smem:$0x3FAF]  }
0x2d: {  	s3 =	simm.s32 $0x108;
	s8 =	sld [smem:$0x3FB0]  }
0x2e: {  	s3 =	simm.s32 @!p0 $0x1082;
	s9 =	sld [smem:$0x3FB1]  }
0x2f: {  	lr =	sadd.s32 s0, s3;
	s0 =	sld [smem:$0x3FA8]  }
0x30: {  	s3 =	sld [smem:$0x3FAB]  }
0x31: {  	[smem:$0x3FB4] =	sst s10  }
0x32: {  	s10 =	sld [smem:$0x3FB2];
	_ =	sdelay $0x3  }
0x33: {  	p0 =	seq.s32 s10, $0x1;
	s10 =	sld [smem:$0x3FB4];
	_ =	sdelay $0x3  }
0x34: {  	[smem:$0x3FB4] =	sst s10  }
0x35: {  	s10 =	sld [smem:$0x3FB3];
	_ =	sdelay $0x3  }
0x36: {  	p1 =	seq.s32 s10, $0x1;
	s10 =	sld [smem:$0x3FB4];
	_ =	sdelay $0x3  }
0x37: {  	[smem:$0x3FB4] =	sst s10  }
0x38: {  	s10 =	sld [smem:$0x3FB5]  }
0x39: {  	_ = 	snop;
	(pc) =	sbr.ind lr, $3  }
0x3a: {  	_ = 	snop  }
0x3b: {  	_ = 	snop  }
0x3c: {  	p2 =	seq.s32 s10, $0x1;
	s10 =	sld [smem:$0x3FB4]  }
0x3d: {  	_ =	shalt  }
0x3e: {  	_ =	shalt  }
0x3f: {  	_ =	shalt  }
0x40: {  	_ =	shalt  }
0x41: {  	_ =	shalt  }
0x42: {  	_ =	shalt  }
0x43: {  	_ =	shalt  }
0x44: {  	_ =	shalt  }
0x45: {  	_ =	shalt  }
0x46: {  	_ =	shalt  }
0x47: {  	_ =	shalt  }
0x48: {  	_ =	shalt  }
0x49: {  	_ =	shalt  }
0x4a: {  	_ =	shalt  }
0x4b: {  	_ =	shalt  }
0x4c: {  	_ =	shalt  }
0x4d: {  	_ =	shalt  }
0x4e: {  	_ =	shalt  }
0x4f: {  	_ =	shalt  }
0x50: {  	_ =	shalt  }
0x51: {  	_ =	shalt  }
0x52: {  	_ =	shalt  }
0x53: {  	_ =	shalt  }
0x54: {  	_ =	shalt  }
0x55: {  	_ =	shalt  }
0x56: {  	_ =	shalt  }
0x57: {  	_ =	shalt  }
0x58: {  	_ =	shalt  }
0x59: {  	_ =	shalt  }
0x5a: {  	_ =	shalt  }
0x5b: {  	_ =	shalt  }
0x5c: {  	_ =	shalt  }
0x5d: {  	_ =	shalt  }
0x5e: {  	_ =	shalt  }
0x5f: {  	_ =	shalt  }
0x60: {  	_ =	shalt  }
0x61: {  	_ =	shalt  }
0x62: {  	_ =	shalt  }
0x63: {  	_ =	shalt  }
0x64: {  	_ =	shalt  }
0x65: {  	_ =	shalt  }
0x66: {  	_ =	shalt  }
0x67: {  	_ =	shalt  }
0x68: {  	_ =	shalt  }
0x69: {  	_ =	shalt  }
0x6a: {  	_ =	shalt  }
0x6b: {  	_ =	shalt  }
0x6c: {  	_ =	shalt  }
0x6d: {  	_ =	shalt  }
0x6e: {  	_ =	shalt  }
0x6f: {  	_ =	shalt  }
0x70: {  	_ =	shalt  }
0x71: {  	_ =	shalt  }
0x72: {  	_ =	shalt  }
0x73: {  	_ =	shalt  }
0x74: {  	_ =	shalt  }
0x75: {  	_ =	shalt  }
0x76: {  	_ =	shalt  }
0x77: {  	_ =	shalt  }
0x78: {  	_ =	shalt  }
0x79: {  	_ =	shalt  }
0x7a: {  	_ =	shalt  }
0x7b: {  	_ =	shalt  }
0x7c: {  	_ =	shalt  }
0x7d: {  	_ =	shalt  }
0x7e: {  	_ =	shalt  }
0x7f: {  	_ =	shalt  }
0x80: {  	_ =	shalt  }
0x81: {  	_ =	shalt  }
0x82: {  	_ =	shalt  }
0x83: {  	_ =	shalt  }
0x84: {  	_ =	shalt  }
0x85: {  	_ =	shalt  }
0x86: {  	_ =	shalt  }
0x87: {  	_ =	shalt  }
.Lfunc_end0:
.L_simem_size_0:
called_computation.1_lowered:
.L_overlay_start_0:
0x88: {  	s2 =	sld [smem:$0x3FD9]  }
0x89: {  	s3 =	sld [smem:$0x3FFE];
	_ =	sdelay $0x1  }
0x8a: {  	s1 =	srdreg.scid  }
0x8b: {  	s0 =	sand.u32 $0x1, s1  }
0x8c: {  	s14 =	sshll.u32 s0, $0xA;
	s2 =	sadd.s32 s3, s2  }
0x8d: {  	s2 =	sadd.s32 s2, s14  }
0x8e: {  	[smem:$0x3FC0] =	sst s2  }
0x8f: {  	_ = 	snop  }
0x90: {  	s2 =	sld [smem:$0x3FD0];
	_ =	sdelay $0x2  }
0x91: {  	s15 =	simm.s32 $0xA;
	s4 =	simm.s32 $0x10  }
0x92: {  	[smem:s4], [sflag:s15] =	dma.local [hbm:s2], $0x1  }
0x93: {  	_ =	swait.eq [sflag:s15], $0x1  }
0x94: {  	[sflag:s15] =	ssyncset.done $0x0  }
0x95: {  	[sflag:s15] =	ssyncadd.s32 $0xFFFFFFFF  }
0x96: {  	s16 =	sld [smem:$0x10];
	(tm) =	ssettm $0x1  }
0x97: {  	s17 =	sld [smem:$0x3FFB];
	_ =	sdelay $0x3  }
0x98: {  	_ =	strace s17  }
0x99: {  	s3 =	sld [smem:$0x3FFC];
	_ =	sdelay $0x3  }
0x9a: {  	_ =	strace s3  }
0x9b: {  	s3 =	sld [smem:$0x3FFD];
	_ =	sdelay $0x3  }
0x9c: {  	_ =	strace s3  }
0x9d: {  	_ =	strace $0x8FFFFFFF  }
0x9e: {  	s18 =	sld [smem:$0x3FDB];
	_ =	sdelay $0x1  }
0x9f: {  	s19 =	simm.s32 $_scs_section_size  }
0xa0: {  	s5 =	simm.s32 $_size__tile_overlayer_lowered;
	s6 =	simm.s32 $_tile_overlayer_lowered  }
0xa1: {  	s22 =	simm.s32 $0x1BFF;
	s21 =	sshll.u32 s6, $0x1;
	s3 =	sadd.s32 s19, s18  }
0xa2: {  	s7 =	simm.s32 $0x0;
	s20 =	sshll.u32 s5, $0x1;
	s5 =	sadd.s32 s21, s3  }
0xa3: {  	[timem:s7], [sflag:s22] =	dma.local [hbm:s5], s20  }
0xa4: {  	_ =	swait.ge [sflag:s22], s20  }
0xa5: {  	s4 =	ssub.s32 $0x0, s20;
	[sflag:s22] =	ssyncset.done $0x0  }
0xa6: {  	[sflag:s22] =	ssyncadd.s32 s4;
	_ =	sdelay $0x1  }
0xa7: {  	s23 =	simm.s32 $0x1B8B  }
0xa8: {  	_ =	swait.ge [sflag:s23], $0x1  }
0xa9: {  	[sflag:s23] =	ssyncset.done $0x0  }
0xaa: {  	s25 =	simm.s32 $0x1B8E;
	s24 =	sld [smem:$0x3FFE];
	[sflag:s23] =	ssyncadd.s32 $0xFFFFFFFF  }
0xab: {  	s26 =	simm.s32 $execute0_lowered;
	[smem:$0x3FD2] =	sst s25  }
0xac: {  	s5 =	sshll.u32 s26, $0x1;
	_ =	strace $0x80000049;
	[dreg:$0x1] =	wrdreg $0xFFFFFFFF  }
0xad: {  	s28 =	simm.s32 $_size_execute0_lowered;
	s3 =	sadd.s32 s3, s5;
	[dreg:$0x0] =	wrdreg $0x0  }
0xae: {  	s5 =	sshll.u32 s28, $0x1;
	[dreg:$0x2] =	wrdreg s3  }
0xaf: {  	[dreg:$0x3] =	wrdreg s5  }
0xb0: {  	[dreg:$0x4] =	wrdreg $0xC0  }
0xb1: {  	_ =	task [dreg:s7], $0x5FFFF  }
0xb2: {  	[dreg:$0x1] =	wrdreg $0xFFFFFFFF  }
0xb3: {  	[dreg:$0x0] =	wrdreg $0x60  }
0xb4: {  	[dreg:$0x2] =	wrdreg s24  }
0xb5: {  	[dreg:$0x3] =	wrdreg s16  }
0xb6: {  	[dreg:$0x4] =	wrdreg $0x9  }
0xb7: {  	_ =	task.clear_ibuf [dreg:s7], $0x5FFFF;
	_ =	strace $0x90000049  }
0xb8: {  	s29 =	simm.s32 $0x9;
	_ =	strace $0x8000004B  }
0xb9: {  	_ =	swait.ge [sflag:s29], $0x1  }
0xba: {  	[sflag:s29] =	ssyncadd.s32 $0xFFFFFFFF  }
0xbb: {  	_ =	strace $0x9000004B  }
0xbc: {  	_ =	sfence  }
0xbd: {  	s30 =	sld [smem:$0x0];
	_ =	sdelay $0x2  }
0xbe: {  	s31 =	sshll.u32 s1, $0xD;
	s1 =	sshrl.u32 s1, $0x2  }
0xbf: {  	s3 =	sand.u32 $0x4000, s31;
	s1 =	sadd.s32 s1, s30  }
0xc0: {  	s0 =	sor.u32 s3, s0;
	s1 =	sshll.u32 s1, $0x11  }
0xc1: {  	s0 =	sor.u32 s1, s0  }
0xc2: {  	s0 =	sadd.s32 $0x8F2B, s0  }
0xc3: {  	[sflag:s0] =	ssyncadd.remote.s32 $0x1  }
0xc4: {  	_ =	sfence.sel $0xFFFF  }
0xc5: {  	[dreg:$0x0] =	wrdreg $0xFFFFFFFF;
	(pc) =	sbr.abs _section_cstart, $3  }
0xc6: {  	[dreg:$0x1] =	wrdreg $0xFFFFFFFF  }
0xc7: {  	_ =	task.clear_ibuf [dreg:s7], $0x2FFFF;
	_ =	strace $0x9FFFFFFF  }
0xc8: {  	(tm) =	ssettm $0x7FFFFFFF  }
0xc9: {  	_ =	shalt  }
tec
execute0_lowered:
.L_overlay_start_1:
0x0: {  	(tag) =	ssettag $0x1  }
0x1: {  	s0 =	rddreg [dreg:$0x0]  }
0x2: {  	s1 =	rddreg [dreg:$0x1]  }
0x3: {  	s2 =	simm.s32 $0x0;
	s4 =	srdreg.scid;
	s8 =	stileid.u32  }
0x4: {  	s17 =	simm.s32 $0x1;
	s18 =	simm.s32 $0x9C40;
	s19 =	simm.s32 $0x2710  }
0x5: {  	s20 =	simm.s32 $0xC350;
	s21 =	simm.s32 $0x4E20;
	s22 =	simm.s32 $0xEA60  }
0x6: {  	s23 =	simm.s32 $0x7530;
	s24 =	simm.s32 $0x11170;
	s25 =	simm.s32 $0x14050  }
0x7: {  	s28 =	simm.s32 $0x0;
	[smem:$0x7FF] =	sst s2;
	s3 =	sadd.s32 $0x1400, s0  }
0x8: {  	s5 =	sadd.s32 $0x32400, s0;
	s6 =	sadd.s32 $0x59600, s0;
	s4 =	sand.u32 $0x1, s4  }
0x9: {  	s7 =	sadd.s32 $0x5AA00, s0;
	s30 =	sadd.s32 $0x59AE2, s0;
	s31 =	sadd.s32 $0x5AEE2, s0  }
0xa: {  	s11 =	sadd.s32 $0x59FC4, s0;
	s12 =	sadd.s32 $0x5B3C4, s0;
	s13 =	sadd.s32 $0x5A4A6, s0  }
0xb: {  	s14 =	sadd.s32 $0x5B8A6, s0;
	_ =	strace $0x8000004A;
	[dreg:$0x3] =	wrdreg s6  }
0xc: {  	s26 =	ssub.s32 $0x2, s4;
	s4 =	sshll.u32 s4, $0x4;
	[dreg:$0x4] =	wrdreg s7  }
0xd: {  	[dreg:$0x5] =	wrdreg s30;
	s29 =	sshrl.u32 s26, $0x1;
	s4 =	sor.u32 s8, s4  }
0xe: {  	[dreg:$0x6] =	wrdreg s31;
	s6 =	ssub.s32 s26, s29;
	s8 =	smul.u32 $0x2710, s4  }
0xf: {  	s15 =	smul.u32 $0x1388, s4;
	s26 =	simm.s32 $0x15F90;
	s16 =	smax.u32 s6, $0x1  }
.LBB2_1:
0x10: {  	s0 =	rddreg [dreg:$0x3]  }
0x11: {  	[tilespmem:s2], [sflag:$0x1] =	stream.linear.gather [hbm4b:s0+s2], $0x2710, $0x38;
	[tilespmem:$0x17ED0] =	vst v63  }
0x12: {  	_ =	swait.ge [sflag:s17], $0x2710  }
0x13: {  	[sflag:s17] =	ssyncset.done $0x0  }
0x14: {  	s10 =	rddreg [dreg:$0x4];
	[sflag:s17] =	ssyncadd.s32 $0xFFFFD8F0  }
0x15: {  	[tilespmem:s18], [sflag:$0x1] =	stream.linear.gather [hbm4b:s10+s2], $0x2710, $0x38;
	[tilespmem:$0x17ED0] =	vst v63  }
0x16: {  	_ =	swait.ge [sflag:s17], $0x2710  }
0x17: {  	[sflag:s17] =	ssyncset.done $0x0  }
0x18: {  	s30 =	rddreg [dreg:$0x5];
	[sflag:s17] =	ssyncadd.s32 $0xFFFFD8F0  }
0x19: {  	[tilespmem:s19], [sflag:$0x1] =	stream.linear.gather [hbm4b:s30+s2], $0x2710, $0x38;
	[tilespmem:$0x17ED0] =	vst v63  }
0x1a: {  	_ =	swait.ge [sflag:s17], $0x2710  }
0x1b: {  	[sflag:s17] =	ssyncset.done $0x0  }
0x1c: {  	s31 =	rddreg [dreg:$0x6];
	[sflag:s17] =	ssyncadd.s32 $0xFFFFD8F0  }
0x1d: {  	[tilespmem:s20], [sflag:$0x1] =	stream.linear.gather [hbm4b:s31+s2], $0x2710, $0x38;
	[tilespmem:$0x17ED0] =	vst v63  }
0x1e: {  	_ =	swait.ge [sflag:s17], $0x2710  }
0x1f: {  	[sflag:s17] =	ssyncset.done $0x0  }
0x20: {  	[sflag:s17] =	ssyncadd.s32 $0xFFFFD8F0  }
0x21: {  	[tilespmem:s21], [sflag:$0x1] =	stream.linear.gather [hbm4b:s11+s2], $0x2710, $0x38;
	[tilespmem:$0x17ED0] =	vst v63  }
0x22: {  	_ =	swait.ge [sflag:s17], $0x2710  }
0x23: {  	[sflag:s17] =	ssyncset.done $0x0  }
0x24: {  	[sflag:s17] =	ssyncadd.s32 $0xFFFFD8F0  }
0x25: {  	[tilespmem:s22], [sflag:$0x1] =	stream.linear.gather [hbm4b:s12+s2], $0x2710, $0x38;
	[tilespmem:$0x17ED0] =	vst v63  }
0x26: {  	_ =	swait.ge [sflag:s17], $0x2710  }
0x27: {  	[sflag:s17] =	ssyncset.done $0x0  }
0x28: {  	[sflag:s17] =	ssyncadd.s32 $0xFFFFD8F0  }
0x29: {  	[tilespmem:s23], [sflag:$0x1] =	stream.linear.gather [hbm4b:s13+s2], $0x2710, $0x38;
	[tilespmem:$0x17ED0] =	vst v63  }
0x2a: {  	_ =	swait.ge [sflag:s17], $0x2710  }
0x2b: {  	[sflag:s17] =	ssyncset.done $0x0  }
0x2c: {  	[sflag:s17] =	ssyncadd.s32 $0xFFFFD8F0  }
0x2d: {  	[tilespmem:s24], [sflag:$0x1] =	stream.linear.gather [hbm4b:s14+s2], $0x2710, $0x38;
	[tilespmem:$0x17ED0] =	vst v63  }
0x2e: {  	_ =	swait.ge [sflag:s17], $0x2710  }
0x2f: {  	[sflag:s17] =	ssyncset.done $0x0  }
0x30: {  	s29 =	simm.s32 $0x0;
	[sflag:s17] =	ssyncadd.s32 $0xFFFFD8F0  }
.LBB2_2:
0x31: {  	s0 =	smul.u32 $0x7D0, s29;
	_ =	sdelay $0x1  }
0x32: {  	s0 =	sadd.s32 s8, s0  }
0x33: {  	s30 =	simm.s32 $0x0;
	s0 =	sshrl.u32 s0, $0x3  }
0x34: {  	s31 =	simm.s32 $0x13880;
	s10 =	smul.u32 $0x3E8, s29;
	s0 =	sadd.s32 s3, s0  }
0x35: {  	[tilespmem:s31], [sflag:$0x1] =	stream.linear.gather [hbm4b:s0+s30], $0x7D0, $0x38;
	[tilespmem:$0x17ED0] =	vst v63  }
0x36: {  	_ =	swait.ge [sflag:s17], $0x7D0  }
0x37: {  	s0 =	sadd.s32 s15, s10;
	[sflag:s17] =	ssyncset.done $0x0  }
0x38: {  	s4 =	sadd.s32 s5, s0;
	[sflag:s17] =	ssyncadd.s32 $0xFFFFF830  }
0x39: {  	[tilespmem:s25], [sflag:$0x1] =	stream.linear.gather [hbm4b:s4+s30], $0x1F40, $0x38;
	[tilespmem:$0x17ED0] =	vst v63  }
0x3a: {  	_ =	swait.ge [sflag:s17], $0x1F40  }
0x3b: {  	[sflag:s17] =	ssyncset.done $0x0  }
0x3c: {  	s6 =	simm.s32 $0x162B0;
	s4 =	simm.s32 $0x14370;
	[sflag:s17] =	ssyncadd.s32 $0xFFFFE0C0  }
.LBB2_3:
0x3d: {  	v0 =	vmov s31;
	_ =	sdelay $0x3  }
0x3e: {  	s7 =	simm.s32 $0x0  }
0x3f: {  	v3 =	vld.idx.msk [tilespmem:v0+s7+$0x0 ss:$0x1], $0xffff;
	_ =	sdelay $0x7  }
0x40: {  	v1 =	vld.idx.msk [tilespmem:v3+s2+$0x0], $0xffff  }
0x41: {  	v2 =	vld.idx.msk [tilespmem:v3+s18+$0x0], $0xffff;
	_ =	sdelay $0x4  }
0x42: {  	v1 =	vadd.f32 v2, v1;
	_ =	sdelay $0x1  }
0x43: {  	v1 =	vadd.f32 $1.000000020e-16, v1;
	_ =	sdelay $0x1  }
0x44: {  	v2 =	vmov s4;
	(erf) = vrcp.f32 v1;
	_ =	sdelay $0x4  }
0x45: {  	v4 =	vld.idx.msk [tilespmem:v2+s7+$0xFFFFFCE0 ss:$0x1], $0xffff;
	_ =	sdelay $0x1  }
0x46: {  	v1 =	vmov s6;
	_ =	sdelay $0x1  }
0x47: {  	v5 =	vpop (erf)  }
0x48: {  	v4 =	vmul.f32 v5, v4;
	_ =	sdelay $0x1  }
0x49: {  	[tilespmem:v1+s7+$0xFFFFFCE0 ss:$0x1] =	vst.idx.msk $0xffff, v4  }
0x4a: {  	v4 =	vld.idx.msk [tilespmem:v3+s19+$0x0], $0xffff  }
0x4b: {  	v5 =	vld.idx.msk [tilespmem:v3+s20+$0x0], $0xffff;
	_ =	sdelay $0x4  }
0x4c: {  	v4 =	vadd.f32 v5, v4;
	_ =	sdelay $0x1  }
0x4d: {  	v4 =	vadd.f32 $1.000000020e-16, v4;
	_ =	sdelay $0x1  }
0x4e: {  	(erf) = vrcp.f32 v4;
	_ =	sdelay $0x4  }
0x4f: {  	v4 =	vld.idx.msk [tilespmem:v2+s7+$0xFFFFFE70 ss:$0x1], $0xffff;
	_ =	sdelay $0x3  }
0x50: {  	v5 =	vpop (erf)  }
0x51: {  	v4 =	vmul.f32 v5, v4;
	_ =	sdelay $0x1  }
0x52: {  	[tilespmem:v1+s7+$0xFFFFFE70 ss:$0x1] =	vst.idx.msk $0xffff, v4  }
0x53: {  	v4 =	vld.idx.msk [tilespmem:v3+s21+$0x0], $0xffff  }
0x54: {  	v5 =	vld.idx.msk [tilespmem:v3+s22+$0x0], $0xffff;
	_ =	sdelay $0x4  }
0x55: {  	v4 =	vadd.f32 v5, v4;
	_ =	sdelay $0x1  }
0x56: {  	v4 =	vadd.f32 $1.000000020e-16, v4;
	_ =	sdelay $0x1  }
0x57: {  	(erf) = vrcp.f32 v4;
	_ =	sdelay $0x4  }
0x58: {  	v4 =	vld.idx.msk [tilespmem:v2+s7+$0x0 ss:$0x1], $0xffff;
	_ =	sdelay $0x3  }
0x59: {  	v5 =	vpop (erf)  }
0x5a: {  	v4 =	vmul.f32 v5, v4;
	_ =	sdelay $0x1  }
0x5b: {  	[tilespmem:v1+s7+$0x0 ss:$0x1] =	vst.idx.msk $0xffff, v4  }
0x5c: {  	v4 =	vld.idx.msk [tilespmem:v3+s23+$0x0], $0xffff  }
0x5d: {  	v3 =	vld.idx.msk [tilespmem:v3+s24+$0x0], $0xffff;
	_ =	sdelay $0x4  }
0x5e: {  	v3 =	vadd.f32 v3, v4;
	_ =	sdelay $0x1  }
0x5f: {  	v4 =	vadd.f32 $1.000000020e-16, v3;
	_ =	sdelay $0x1  }
0x60: {  	s9 =	simm.s32 $0x40;
	v3 =	vld.idx.msk [tilespmem:v2+s7+$0x190 ss:$0x1], $0xffff;
	(erf) = vrcp.f32 v4  }
.LBB2_4:
0x61: {  	_ =	sdelay $0x6  }
0x62: {  	p0 =	sne.s32 s9, $0x600;
	s10 =	smov.u32 s9;
	s9 =	sadd.s32 $0x40, s9  }
0x63: {  	v4 =	vpop (erf)  }
0x64: {  	v3 =	vmul.f32 v4, v3;
	_ =	sdelay $0x1  }
0x65: {  	[tilespmem:v1+s7+$0x190 ss:$0x1] =	vst.idx.msk $0xffff, v3;
	s7 =	sshra.s32 s10, $0x2  }
0x66: {  	v3 =	vld.idx.msk [tilespmem:v0+s7+$0x0 ss:$0x1], $0xffff;
	_ =	sdelay $0x7  }
0x67: {  	v4 =	vld.idx.msk [tilespmem:v3+s2+$0x0], $0xffff  }
0x68: {  	v5 =	vld.idx.msk [tilespmem:v3+s18+$0x0], $0xffff;
	_ =	sdelay $0x5  }
0x69: {  	v4 =	vadd.f32 v5, v4;
	_ =	sdelay $0x1  }
0x6a: {  	v4 =	vadd.f32 $1.000000020e-16, v4;
	_ =	sdelay $0x1  }
0x6b: {  	(erf) = vrcp.f32 v4;
	_ =	sdelay $0x2  }
0x6c: {  	v4 =	vld.idx.msk [tilespmem:v2+s7+$0xFFFFFCE0 ss:$0x1], $0xffff;
	_ =	sdelay $0x5  }
0x6d: {  	v5 =	vpop (erf)  }
0x6e: {  	v4 =	vmul.f32 v5, v4;
	_ =	sdelay $0x1  }
0x6f: {  	[tilespmem:v1+s7+$0xFFFFFCE0 ss:$0x1] =	vst.idx.msk $0xffff, v4  }
0x70: {  	v4 =	vld.idx.msk [tilespmem:v3+s19+$0x0], $0xffff  }
0x71: {  	v5 =	vld.idx.msk [tilespmem:v3+s20+$0x0], $0xffff;
	_ =	sdelay $0x5  }
0x72: {  	v4 =	vadd.f32 v5, v4;
	_ =	sdelay $0x1  }
0x73: {  	v4 =	vadd.f32 $1.000000020e-16, v4;
	_ =	sdelay $0x1  }
0x74: {  	(erf) = vrcp.f32 v4;
	_ =	sdelay $0x1  }
0x75: {  	v4 =	vld.idx.msk [tilespmem:v2+s7+$0xFFFFFE70 ss:$0x1], $0xffff;
	_ =	sdelay $0x6  }
0x76: {  	v5 =	vpop (erf)  }
0x77: {  	v4 =	vmul.f32 v5, v4;
	_ =	sdelay $0x1  }
0x78: {  	[tilespmem:v1+s7+$0xFFFFFE70 ss:$0x1] =	vst.idx.msk $0xffff, v4  }
0x79: {  	v4 =	vld.idx.msk [tilespmem:v3+s21+$0x0], $0xffff  }
0x7a: {  	v5 =	vld.idx.msk [tilespmem:v3+s22+$0x0], $0xffff;
	_ =	sdelay $0x5  }
0x7b: {  	v4 =	vadd.f32 v5, v4;
	_ =	sdelay $0x1  }
0x7c: {  	v4 =	vadd.f32 $1.000000020e-16, v4;
	_ =	sdelay $0x1  }
0x7d: {  	(erf) = vrcp.f32 v4  }
0x7e: {  	v4 =	vld.idx.msk [tilespmem:v2+s7+$0x0 ss:$0x1], $0xffff;
	_ =	sdelay $0x7  }
0x7f: {  	v5 =	vpop (erf)  }
0x80: {  	v4 =	vmul.f32 v5, v4;
	_ =	sdelay $0x1  }
0x81: {  	[tilespmem:v1+s7+$0x0 ss:$0x1] =	vst.idx.msk $0xffff, v4  }
0x82: {  	v4 =	vld.idx.msk [tilespmem:v3+s23+$0x0], $0xffff  }
0x83: {  	v5 =	vld.idx.msk [tilespmem:v3+s24+$0x0], $0xffff  }
0x84: {  	v3 =	vld.idx.msk [tilespmem:v2+s7+$0x190 ss:$0x1], $0xffff;
	_ =	sdelay $0x4  }
.Ltmp0:
0x85: {  	v4 =	vadd.f32 v5, v4;
	(pc) =	sbr.rel @p0 .LBB2_4-.Ltmp0, $3  }
0x86: {  	_ = 	snop  }
0x87: {  	v4 =	vadd.f32 $1.000000020e-16, v4;
	_ =	sdelay $0x1  }
0x88: {  	(erf) = vrcp.f32 v4  }
0x89: {  	_ =	sdelay $0x4  }
0x8a: {  	s30 =	sadd.s32 $0x1, s30  }
0x8b: {  	p0 =	sne.s32 s30, $0x5  }
.Ltmp1:
0x8c: {  	_ = 	snop;
	(pc) =	sbr.rel @p0 .LBB2_3-.Ltmp1, $3  }
0x8d: {  	v0 =	vpop (erf)  }
0x8e: {  	v0 =	vmul.f32 v0, v3;
	_ =	sdelay $0x1  }
0x8f: {  	s31 =	sadd.s32 $0x190, s31;
	s4 =	sadd.s32 $0x640, s4;
	s6 =	sadd.s32 $0x640, s6;
	[tilespmem:v1+s7+$0x190 ss:$0x1] =	vst.idx.msk $0xffff, v0  }
0x90: {  	s29 =	sadd.s32 $0x1, s29  }
0x91: {  	p0 =	sne.s32 s29, $0x5  }
.Ltmp2:
0x92: {  	s0 =	sadd.s32 s1, s0;
	(pc) =	sbr.rel @p0 .LBB2_2-.Ltmp2, $4  }
0x93: {  	[hbm4b:s0+s2] =	stream.linear.scatter [tilespmem:s26], [sflag:$0x1], $0x1F40, $0x38;
	[tilespmem:$0x17ED0] =	vst v63  }
0x94: {  	_ =	swait.ge [sflag:s17], $0x1F40  }
0x95: {  	[sflag:s17] =	ssyncset.done $0x0  }
0x96: {  	[sflag:s17] =	ssyncadd.s32 $0xFFFFE0C0  }
0x97: {  	s28 =	sadd.s32 $0x1, s28  }
0x98: {  	p0 =	sne.s32 s28, s16  }
.Ltmp3:
0x99: {  	_ = 	snop;
	(pc) =	sbr.rel @p0 .LBB2_1-.Ltmp3, $1  }
0x9a: {  	_ =	sdelay $0x3  }
0x9b: {  	_ =	sfence.sel $0x180000  }
0x9c: {  	[bflag:$0x0] =	sbarrier.arrive $0xFFFF  }
0x9d: {  	_ =	strace $0x9000004A  }
0x9e: {  	s0 =	stileid.u32;
	[bflag:$0x2] =	sbarrier.arrive $0xFFFF  }
0x9f: {  	p0 =	sne.s32 s0, $0x0;
	s0 =	rddreg [dreg:$0x2]  }
0xa0: {  	s0 =	sadd.s32 @!p0 $0x100000, s0  }
0xa1: {  	[sflag:s0] =	ssyncadd.tile.s32 @!p0 $0x1;
	_ =	shalt  }
.Lfunc_end2:
_tile_overlayer_lowered:
.L_overlay_start_2:
0xa2: {  	(tag) =	ssettag $0x2  }
0xa3: {  	s0 =	rddreg [dreg:$0x0];
	s2 =	stileid.u32  }
0xa4: {  	s1 =	rddreg [dreg:$0x1];
	p0 =	sne.s32 s2, $0x0  }
0xa5: {  	s3 =	rddreg [dreg:$0x2];
	[bflag:$0x3] =	sbarrier.arrive $0xFFFF;
	s2 =	simm.s32 @!p0 $0x1C01  }
0xa6: {  	[timem:s3], [sflag:s2] =	dma.local @!p0 [hbm:s0], s1  }
0xa7: {  	s0 =	simm.s32 @!p0 $0x1  }
0xa8: {  	_ =	swait.ge @!p0 [sflag:s0], s1  }
0xa9: {  	s1 =	ssub.s32 @!p0 $0x0, s1;
	[sflag:s0] =	ssyncset.done @!p0 $0x0  }
0xaa: {  	[sflag:s0] =	ssyncadd.s32 @!p0 s1  }
0xab: {  	[bflag:$0x3] =	sbarrier.arrive $0xFFFF  }
0xac: {  	_ =	shalt  }

</sc_bundles>
